<compile_context>
chip_gen: v7x
topology: tpu7x:2x2x1
jax: 0.10.2.dev20260603
libtpu: 0.0.44.dev20260713+nightly
codegen_flags: <defaults>
</compile_context>

<pallas_src>
import functools

import jax
import jax.numpy as jnp
from jax import lax
from jax.experimental import pallas as pl
from jax.experimental.pallas import tpu as pltpu
from jax.experimental.pallas import tpu_sc as plsc

VOCAB = 1000000
D = 64
BT = 4096
S = 200
NC = 2
NS = 16
NW = NC * NS
BPW = BT // NW
NBUF = 4

_mesh = plsc.VectorSubcoreMesh(core_axis_name="c", subcore_axis_name="s")


@functools.partial(
    pl.kernel,
    out_type=jax.ShapeDtypeStruct((S, D // 8, NW, 8, BPW), jnp.float32),
    mesh=_mesh,
    scratch_types=[
        pltpu.VMEM((S // 8, 8 * BPW), jnp.int32),
        pltpu.VMEM((NBUF, BPW, D), jnp.float32),
        pltpu.VMEM((NBUF, D // 8, 8, BPW + 1), jnp.float32),
        [pltpu.SemaphoreType.DMA] * NBUF,
        [pltpu.SemaphoreType.DMA] * NBUF,
    ],
    compiler_params=pltpu.CompilerParams(use_tc_tiling_on_sc=False,
                                         needs_layout_passes=False),
)
def _emb(idx_hbm, table_hbm, out_hbm, idx_v, bufs, stage, gsem, osem):
    wid = lax.axis_index("s") * NC + lax.axis_index("c")

    pltpu.sync_copy(idx_hbm.at[:, wid], idx_v)

    lanes = jnp.arange(16, dtype=jnp.int32)

    def idx_ref(s):
        return idx_v.at[s >> 3, pl.ds((s & 7) * BPW, BPW)]

    def start_gather(s, m):
        pltpu.async_copy(table_hbm.at[idx_ref(s)], bufs.at[m], gsem[m])

    def wait_gather(s, m):
        pltpu.make_async_copy(table_hbm.at[idx_ref(s)], bufs.at[m],
                              gsem[m]).wait()

    def start_out(s, p):
        pltpu.async_copy(stage.at[p, :, :, pl.ds(0, BPW)],
                         out_hbm.at[s, :, wid], osem[p])

    def wait_out(s, p):
        pltpu.make_async_copy(stage.at[p, :, :, pl.ds(0, BPW)],
                              out_hbm.at[s, :, wid], osem[p]).wait()

    l8 = (lanes >= 8).astype(jnp.int32)
    lr = lanes & 7

    def transform(m, p):
        def body_c(c, _=None):
            cv = jnp.zeros((16,), jnp.int32) + c
            for k in range(D // 16):
                vals = bufs[m, c, pl.ds(16 * k, 16)]
                plsc.store_scatter(stage.at[p], [2 * k + l8, lr, cv], vals)

        pl.loop(0, BPW)(body_c)

    for t in range(NBUF):
        start_gather(t, t)

    def ring(j, _=None):
        for t in range(NBUF):
            s = NBUF * j + t
            wait_gather(s, t)

            @pl.when(s >= NBUF)
            def _():
                wait_out(s - NBUF, t)

            transform(t, t)
            start_out(s, t)

            @pl.when(s + NBUF < S)
            def _():
                start_gather(s + NBUF, t)

    pl.loop(0, S // NBUF)(ring)
    for t in range(NBUF):
        wait_out(S - NBUF + t, t)


def kernel(indices, table):
    x = indices.astype(jnp.int32).reshape(NW, BPW, S // 8, 8)
    x = x.transpose(2, 0, 3, 1).reshape(S // 8, NW, 8 * BPW)
    out5 = _emb(x, table)
    return out5.transpose(2, 4, 0, 1, 3).reshape(BT, S, D)

# --- scband reference (transcript-rebuilt; emitter-appended) ---
"""Pipeline reference for scband-embedding-83597243449896 (READ-ONLY COPY).

The authoritative reference and input builder live on the scoring server;
editing this copy changes nothing except your own understanding.
"""

import jax, jax.numpy as jnp
import numpy as np

VOCAB = 1000000
EMBED_DIM = 64


def setup_inputs(seed: int = 0) -> dict:
    key = jax.random.key(seed)
    k1, k2 = jax.random.split(key)
    indices = jax.random.randint(k1, (4096, 200), 0, VOCAB, dtype=jnp.int64) if jax.config.jax_enable_x64 else jax.random.randint(k1, (4096, 200), 0, VOCAB, dtype=jnp.int32)
    table = jax.random.normal(k2, (VOCAB, EMBED_DIM), dtype=jnp.float32)
    # padding_idx=0: row 0 initialized to zeros (as in nn.Embedding with padding_idx)
    table = table.at[0].set(0.0)
    return {"indices": indices, "table": table}


def reference(indices, table):
    # Embedding lookup (nn.Embedding with padding_idx=0); dropout rate 0.0 -> identity
    out = jnp.take(table, indices, axis=0)
    return out

if __name__ == "__main__":
    import jax
    _d = setup_inputs()
    print(jax.jit(kernel)(*tuple(_d.values())))

</pallas_src>

<mosaic_0001>
#map = affine_map<(d0, d1) -> (0, 0, 0)>
#map1 = affine_map<(d0, d1) -> (0, 0)>
#map2 = affine_map<(d0, d1) -> (0, 0, 0, 0, 0)>
module attributes {stable_mosaic.version = 14 : i64} {
  func.func @_emb(%arg0: i32, %arg1: i32, %arg2: memref<25x32x1024xi32, #tpu.memory_space<hbm>>, %arg3: memref<1000000x64xf32, #tpu.memory_space<hbm>>, %arg4: memref<200x8x32x8x128xf32, #tpu.memory_space<hbm>>, %arg5: memref<25x1024xi32, #tpu.memory_space<vmem>>, %arg6: memref<4x128x64xf32, #tpu.memory_space<vmem>>, %arg7: memref<4x8x8x129xf32, #tpu.memory_space<vmem>>, %arg8: memref<!tpu.dma_semaphore, #tpu.memory_space<semaphore_mem>>, %arg9: memref<!tpu.dma_semaphore, #tpu.memory_space<semaphore_mem>>, %arg10: memref<!tpu.dma_semaphore, #tpu.memory_space<semaphore_mem>>, %arg11: memref<!tpu.dma_semaphore, #tpu.memory_space<semaphore_mem>>, %arg12: memref<!tpu.dma_semaphore, #tpu.memory_space<semaphore_mem>>, %arg13: memref<!tpu.dma_semaphore, #tpu.memory_space<semaphore_mem>>, %arg14: memref<!tpu.dma_semaphore, #tpu.memory_space<semaphore_mem>>, %arg15: memref<!tpu.dma_semaphore, #tpu.memory_space<semaphore_mem>>) attributes {dimension_semantics = [#tpu.dimension_semantics<core_parallel>, #tpu.dimension_semantics<subcore_parallel>], iteration_bounds = array<i64: 2, 16>, scalar_prefetch = 0 : i64, scratch_operands = 11 : i64, tpu.core_type = #tpu.core_type<sc_vector_subcore>, window_params = [{transform_indices = #map}, {transform_indices = #map1}, {transform_indices = #map2}]} {
    %mul3A = arith.constant 2 : i32
    %mul3A_0 = arith.muli %arg1, %mul3A : i32
    %add3A = arith.addi %mul3A_0, %arg0 : i32
    "tpu.region"() ({
      %run_scoped3A = tpu.sem_alloc : memref<!tpu.dma_semaphore, #tpu.memory_space<semaphore_mem>>
      %dma_start3A_143 = arith.constant 0 : i32
      %dma_start3A_144 = arith.constant 0 : i32
      %dma_start3A_145 = tpu.memref_slice %arg2[%dma_start3A_143, %add3A, %dma_start3A_144] : memref<25x32x1024xi32, #tpu.memory_space<hbm>> -> memref<25x1x1024xi32, #tpu.memory_space<hbm>>
      %dma_start3A_146 = tpu.memref_squeeze %dma_start3A_145 : memref<25x1x1024xi32, #tpu.memory_space<hbm>> -> memref<25x1024xi32, #tpu.memory_space<hbm>>
      %dma_start3A_147 = arith.constant 0 : i32
      %dma_start3A_148 = arith.constant 0 : i32
      %dma_start3A_149 = tpu.memref_slice %arg2[%dma_start3A_147, %add3A, %dma_start3A_148] : memref<25x32x1024xi32, #tpu.memory_space<hbm>> -> memref<25x1x1024xi32, #tpu.memory_space<hbm>>
      %dma_start3A_150 = tpu.memref_squeeze %dma_start3A_149 : memref<25x1x1024xi32, #tpu.memory_space<hbm>> -> memref<25x1024xi32, #tpu.memory_space<hbm>>
      tpu.enqueue_dma source(%dma_start3A_150 : memref<25x1024xi32, #tpu.memory_space<hbm>>) target(%arg5 : memref<25x1024xi32, #tpu.memory_space<vmem>>) target_semaphore(%run_scoped3A : memref<!tpu.dma_semaphore, #tpu.memory_space<semaphore_mem>>)
      %dma_wait3A_151 = arith.constant 0 : i32
      %dma_wait3A_152 = arith.constant 0 : i32
      %dma_wait3A_153 = tpu.memref_slice %arg2[%dma_wait3A_151, %add3A, %dma_wait3A_152] : memref<25x32x1024xi32, #tpu.memory_space<hbm>> -> memref<25x1x1024xi32, #tpu.memory_space<hbm>>
      %dma_wait3A_154 = tpu.memref_squeeze %dma_wait3A_153 : memref<25x1x1024xi32, #tpu.memory_space<hbm>> -> memref<25x1024xi32, #tpu.memory_space<hbm>>
      %dma_wait3A_155 = arith.constant 0 : i32
      %dma_wait3A_156 = arith.constant 0 : i32
      %dma_wait3A_157 = tpu.memref_slice %arg2[%dma_wait3A_155, %add3A, %dma_wait3A_156] : memref<25x32x1024xi32, #tpu.memory_space<hbm>> -> memref<25x1x1024xi32, #tpu.memory_space<hbm>>
      %dma_wait3A_158 = tpu.memref_squeeze %dma_wait3A_157 : memref<25x1x1024xi32, #tpu.memory_space<hbm>> -> memref<25x1024xi32, #tpu.memory_space<hbm>>
      tpu.wait_dma2 semaphore(%run_scoped3A : memref<!tpu.dma_semaphore, #tpu.memory_space<semaphore_mem>>) src(%dma_wait3A_158 : memref<25x1024xi32, #tpu.memory_space<hbm>>) dst(%arg5 : memref<25x1024xi32, #tpu.memory_space<vmem>>)
      tpu.yield
    }) : () -> ()
    %iota3A = tpu.iota {dimensions = array<i32: 0>} : vector<16xi32>
    %ge3A = arith.constant 8 : i32
    %ge3A_1 = vector.broadcast %ge3A : i32 to vector<16xi32>
    %ge3A_2 = arith.cmpi sge, %iota3A, %ge3A_1 : vector<16xi32>
    %convert_element_type3A = arith.extui %ge3A_2 : vector<16xi1> to vector<16xi32>
    %and3A = arith.constant 7 : i32
    %and3A_3 = vector.broadcast %and3A : i32 to vector<16xi32>
    %and3A_4 = arith.andi %iota3A, %and3A_3 : vector<16xi32>
    %dma_start3A = arith.constant 0 : i32
    %dma_start3A_5 = arith.constant 0 : i32
    %dma_start3A_6 = arith.constant 0 : i32
    %dma_start3A_7 = arith.constant 0 : i32
    %dma_start3A_8 = tpu.memref_slice %arg6[%dma_start3A_5, %dma_start3A_6, %dma_start3A_7] : memref<4x128x64xf32, #tpu.memory_space<vmem>> -> memref<1x128x64xf32, #tpu.memory_space<vmem>>
    %dma_start3A_9 = tpu.memref_squeeze %dma_start3A_8 : memref<1x128x64xf32, #tpu.memory_space<vmem>> -> memref<128x64xf32, #tpu.memory_space<vmem>>
    %dma_start3A_10 = arith.constant 0 : i32
    %dma_start3A_11 = tpu.memref_slice %arg5[%dma_start3A, %dma_start3A_10] : memref<25x1024xi32, #tpu.memory_space<vmem>> -> memref<1x128xi32, #tpu.memory_space<vmem>>
    %dma_start3A_12 = tpu.memref_squeeze %dma_start3A_11 : memref<1x128xi32, #tpu.memory_space<vmem>> -> memref<128xi32, #tpu.memory_space<vmem>>
    %dma_start3A_13 = arith.constant 0 : i32
    %dma_start3A_14 = arith.constant 0 : i32
    %dma_start3A_15 = tpu.memref_slice %arg3[%dma_start3A_13, %dma_start3A_14] : memref<1000000x64xf32, #tpu.memory_space<hbm>> -> memref<1000000x64xf32, #tpu.memory_space<hbm>>
    tpu.enqueue_indirect_dma source(%dma_start3A_15 : memref<1000000x64xf32, #tpu.memory_space<hbm>>) target(%dma_start3A_9 : memref<128x64xf32, #tpu.memory_space<vmem>>) offsets(%dma_start3A_12 : memref<128xi32, #tpu.memory_space<vmem>>) semaphore(%arg8 : memref<!tpu.dma_semaphore, #tpu.memory_space<semaphore_mem>>)
    %dma_start3A_16 = arith.constant 0 : i32
    %dma_start3A_17 = arith.constant 1 : i32
    %dma_start3A_18 = arith.constant 0 : i32
    %dma_start3A_19 = arith.constant 0 : i32
    %dma_start3A_20 = tpu.memref_slice %arg6[%dma_start3A_17, %dma_start3A_18, %dma_start3A_19] : memref<4x128x64xf32, #tpu.memory_space<vmem>> -> memref<1x128x64xf32, #tpu.memory_space<vmem>>
    %dma_start3A_21 = tpu.memref_squeeze %dma_start3A_20 : memref<1x128x64xf32, #tpu.memory_space<vmem>> -> memref<128x64xf32, #tpu.memory_space<vmem>>
    %dma_start3A_22 = arith.constant 128 : i32
    %dma_start3A_23 = tpu.memref_slice %arg5[%dma_start3A_16, %dma_start3A_22] : memref<25x1024xi32, #tpu.memory_space<vmem>> -> memref<1x128xi32, #tpu.memory_space<vmem>>
    %dma_start3A_24 = tpu.memref_squeeze %dma_start3A_23 : memref<1x128xi32, #tpu.memory_space<vmem>> -> memref<128xi32, #tpu.memory_space<vmem>>
    %dma_start3A_25 = arith.constant 0 : i32
    %dma_start3A_26 = arith.constant 0 : i32
    %dma_start3A_27 = tpu.memref_slice %arg3[%dma_start3A_25, %dma_start3A_26] : memref<1000000x64xf32, #tpu.memory_space<hbm>> -> memref<1000000x64xf32, #tpu.memory_space<hbm>>
    tpu.enqueue_indirect_dma source(%dma_start3A_27 : memref<1000000x64xf32, #tpu.memory_space<hbm>>) target(%dma_start3A_21 : memref<128x64xf32, #tpu.memory_space<vmem>>) offsets(%dma_start3A_24 : memref<128xi32, #tpu.memory_space<vmem>>) semaphore(%arg9 : memref<!tpu.dma_semaphore, #tpu.memory_space<semaphore_mem>>)
    %dma_start3A_28 = arith.constant 0 : i32
    %dma_start3A_29 = arith.constant 2 : i32
    %dma_start3A_30 = arith.constant 0 : i32
    %dma_start3A_31 = arith.constant 0 : i32
    %dma_start3A_32 = tpu.memref_slice %arg6[%dma_start3A_29, %dma_start3A_30, %dma_start3A_31] : memref<4x128x64xf32, #tpu.memory_space<vmem>> -> memref<1x128x64xf32, #tpu.memory_space<vmem>>
    %dma_start3A_33 = tpu.memref_squeeze %dma_start3A_32 : memref<1x128x64xf32, #tpu.memory_space<vmem>> -> memref<128x64xf32, #tpu.memory_space<vmem>>
    %dma_start3A_34 = arith.constant 256 : i32
    %dma_start3A_35 = tpu.memref_slice %arg5[%dma_start3A_28, %dma_start3A_34] : memref<25x1024xi32, #tpu.memory_space<vmem>> -> memref<1x128xi32, #tpu.memory_space<vmem>>
    %dma_start3A_36 = tpu.memref_squeeze %dma_start3A_35 : memref<1x128xi32, #tpu.memory_space<vmem>> -> memref<128xi32, #tpu.memory_space<vmem>>
    %dma_start3A_37 = arith.constant 0 : i32
    %dma_start3A_38 = arith.constant 0 : i32
    %dma_start3A_39 = tpu.memref_slice %arg3[%dma_start3A_37, %dma_start3A_38] : memref<1000000x64xf32, #tpu.memory_space<hbm>> -> memref<1000000x64xf32, #tpu.memory_space<hbm>>
    tpu.enqueue_indirect_dma source(%dma_start3A_39 : memref<1000000x64xf32, #tpu.memory_space<hbm>>) target(%dma_start3A_33 : memref<128x64xf32, #tpu.memory_space<vmem>>) offsets(%dma_start3A_36 : memref<128xi32, #tpu.memory_space<vmem>>) semaphore(%arg10 : memref<!tpu.dma_semaphore, #tpu.memory_space<semaphore_mem>>)
    %dma_start3A_40 = arith.constant 0 : i32
    %dma_start3A_41 = arith.constant 3 : i32
    %dma_start3A_42 = arith.constant 0 : i32
    %dma_start3A_43 = arith.constant 0 : i32
    %dma_start3A_44 = tpu.memref_slice %arg6[%dma_start3A_41, %dma_start3A_42, %dma_start3A_43] : memref<4x128x64xf32, #tpu.memory_space<vmem>> -> memref<1x128x64xf32, #tpu.memory_space<vmem>>
    %dma_start3A_45 = tpu.memref_squeeze %dma_start3A_44 : memref<1x128x64xf32, #tpu.memory_space<vmem>> -> memref<128x64xf32, #tpu.memory_space<vmem>>
    %dma_start3A_46 = arith.constant 384 : i32
    %dma_start3A_47 = tpu.memref_slice %arg5[%dma_start3A_40, %dma_start3A_46] : memref<25x1024xi32, #tpu.memory_space<vmem>> -> memref<1x128xi32, #tpu.memory_space<vmem>>
    %dma_start3A_48 = tpu.memref_squeeze %dma_start3A_47 : memref<1x128xi32, #tpu.memory_space<vmem>> -> memref<128xi32, #tpu.memory_space<vmem>>
    %dma_start3A_49 = arith.constant 0 : i32
    %dma_start3A_50 = arith.constant 0 : i32
    %dma_start3A_51 = tpu.memref_slice %arg3[%dma_start3A_49, %dma_start3A_50] : memref<1000000x64xf32, #tpu.memory_space<hbm>> -> memref<1000000x64xf32, #tpu.memory_space<hbm>>
    tpu.enqueue_indirect_dma source(%dma_start3A_51 : memref<1000000x64xf32, #tpu.memory_space<hbm>>) target(%dma_start3A_45 : memref<128x64xf32, #tpu.memory_space<vmem>>) offsets(%dma_start3A_48 : memref<128xi32, #tpu.memory_space<vmem>>) semaphore(%arg11 : memref<!tpu.dma_semaphore, #tpu.memory_space<semaphore_mem>>)
    %scan3A = arith.constant 0 : i32
    %scan3A_52 = arith.constant 50 : i32
    %scan3A_53 = arith.addi %scan3A, %scan3A_52 : i32
    %scan3A_54 = arith.constant 1 : i32
    scf.for %scan3A_143 = %scan3A to %scan3A_53 step %scan3A_54  : i32 {
      %mul3A_144 = arith.constant 1 : i32
      %mul3A_145 = arith.muli %scan3A_143, %mul3A_144 : i32
      %add3A_146 = arith.constant 0 : i32
      %add3A_147 = arith.addi %add3A_146, %mul3A_145 : i32
      %mul3A_148 = arith.constant 4 : i32
      %mul3A_149 = arith.muli %mul3A_148, %add3A_147 : i32
      %add3A_150 = arith.constant 0 : i32
      %add3A_151 = arith.addi %mul3A_149, %add3A_150 : i32
      %shift_right_arithmetic3A = arith.constant 3 : i32
      %shift_right_arithmetic3A_152 = arith.shrsi %add3A_151, %shift_right_arithmetic3A : i32
      %and3A_153 = arith.constant 7 : i32
      %and3A_154 = arith.andi %add3A_151, %and3A_153 : i32
      %mul3A_155 = arith.constant 128 : i32
      %mul3A_156 = arith.muli %and3A_154, %mul3A_155 : i32
      %dma_wait3A_157 = arith.constant 0 : i32
      %dma_wait3A_158 = arith.constant 0 : i32
      %dma_wait3A_159 = arith.constant 0 : i32
      %dma_wait3A_160 = tpu.memref_slice %arg6[%dma_wait3A_157, %dma_wait3A_158, %dma_wait3A_159] : memref<4x128x64xf32, #tpu.memory_space<vmem>> -> memref<1x128x64xf32, #tpu.memory_space<vmem>>
      %dma_wait3A_161 = tpu.memref_squeeze %dma_wait3A_160 : memref<1x128x64xf32, #tpu.memory_space<vmem>> -> memref<128x64xf32, #tpu.memory_space<vmem>>
      %dma_wait3A_162 = tpu.memref_slice %arg5[%shift_right_arithmetic3A_152, %mul3A_156] : memref<25x1024xi32, #tpu.memory_space<vmem>> -> memref<1x128xi32, #tpu.memory_space<vmem>>
      %dma_wait3A_163 = tpu.memref_squeeze %dma_wait3A_162 : memref<1x128xi32, #tpu.memory_space<vmem>> -> memref<128xi32, #tpu.memory_space<vmem>>
      %dma_wait3A_164 = arith.constant 0 : i32
      %dma_wait3A_165 = arith.constant 0 : i32
      %dma_wait3A_166 = tpu.memref_slice %arg3[%dma_wait3A_164, %dma_wait3A_165] : memref<1000000x64xf32, #tpu.memory_space<hbm>> -> memref<1000000x64xf32, #tpu.memory_space<hbm>>
      tpu.wait_indirect_dma semaphore(%arg8 : memref<!tpu.dma_semaphore, #tpu.memory_space<semaphore_mem>>) src(%dma_wait3A_166 : memref<1000000x64xf32, #tpu.memory_space<hbm>>) dst(%dma_wait3A_161 : memref<128x64xf32, #tpu.memory_space<vmem>>)
      %ge3A_167 = arith.constant 4 : i32
      %ge3A_168 = arith.cmpi sge, %add3A_151, %ge3A_167 : i32
      %convert_element_type3A_169 = arith.extui %ge3A_168 : i1 to i32
      %cond3A = arith.constant 0 : i32
      %cond3A_170 = arith.cmpi ne, %convert_element_type3A_169, %cond3A : i32
      scf.if %cond3A_170 {
        %sub3A = arith.constant 4 : i32
        %sub3A_377 = arith.subi %add3A_151, %sub3A : i32
        %dma_wait3A_378 = arith.constant 0 : i32
        %dma_wait3A_379 = arith.constant 0 : i32
        %dma_wait3A_380 = arith.constant 0 : i32
        %dma_wait3A_381 = arith.constant 0 : i32
        %dma_wait3A_382 = tpu.memref_slice %arg7[%dma_wait3A_378, %dma_wait3A_379, %dma_wait3A_380, %dma_wait3A_381] : memref<4x8x8x129xf32, #tpu.memory_space<vmem>> -> memref<1x8x8x128xf32, #tpu.memory_space<vmem>>
        %dma_wait3A_383 = tpu.memref_squeeze %dma_wait3A_382 : memref<1x8x8x128xf32, #tpu.memory_space<vmem>> -> memref<8x8x128xf32, #tpu.memory_space<vmem>>
        %dma_wait3A_384 = arith.constant 0 : i32
        %dma_wait3A_385 = arith.constant 0 : i32
        %dma_wait3A_386 = arith.constant 0 : i32
        %dma_wait3A_387 = tpu.memref_slice %arg4[%sub3A_377, %dma_wait3A_384, %add3A, %dma_wait3A_385, %dma_wait3A_386] : memref<200x8x32x8x128xf32, #tpu.memory_space<hbm>> -> memref<1x8x1x8x128xf32, #tpu.memory_space<hbm>>
        %dma_wait3A_388 = tpu.memref_squeeze %dma_wait3A_387 : memref<1x8x1x8x128xf32, #tpu.memory_space<hbm>> -> memref<8x8x128xf32, #tpu.memory_space<hbm>>
        %dma_wait3A_389 = arith.constant 0 : i32
        %dma_wait3A_390 = arith.constant 0 : i32
        %dma_wait3A_391 = arith.constant 0 : i32
        %dma_wait3A_392 = tpu.memref_slice %arg4[%sub3A_377, %dma_wait3A_389, %add3A, %dma_wait3A_390, %dma_wait3A_391] : memref<200x8x32x8x128xf32, #tpu.memory_space<hbm>> -> memref<1x8x1x8x128xf32, #tpu.memory_space<hbm>>
        %dma_wait3A_393 = tpu.memref_squeeze %dma_wait3A_392 : memref<1x8x1x8x128xf32, #tpu.memory_space<hbm>> -> memref<8x8x128xf32, #tpu.memory_space<hbm>>
        %dma_wait3A_394 = arith.constant 0 : i32
        %dma_wait3A_395 = arith.constant 0 : i32
        %dma_wait3A_396 = arith.constant 0 : i32
        %dma_wait3A_397 = tpu.memref_slice %arg7[%dma_wait3A_378, %dma_wait3A_394, %dma_wait3A_395, %dma_wait3A_396] : memref<4x8x8x129xf32, #tpu.memory_space<vmem>> -> memref<1x8x8x128xf32, #tpu.memory_space<vmem>>
        %dma_wait3A_398 = tpu.memref_squeeze %dma_wait3A_397 : memref<1x8x8x128xf32, #tpu.memory_space<vmem>> -> memref<8x8x128xf32, #tpu.memory_space<vmem>>
        tpu.wait_dma2 semaphore(%arg12 : memref<!tpu.dma_semaphore, #tpu.memory_space<semaphore_mem>>) src(%dma_wait3A_398 : memref<8x8x128xf32, #tpu.memory_space<vmem>>) dst(%dma_wait3A_393 : memref<8x8x128xf32, #tpu.memory_space<hbm>>)
      } else {
      }
      %scan3A_171 = arith.constant 0 : i32
      %scan3A_172 = arith.constant 128 : i32
      %scan3A_173 = arith.addi %scan3A_171, %scan3A_172 : i32
      %scan3A_174 = arith.constant 1 : i32
      scf.for %scan3A_377 = %scan3A_171 to %scan3A_173 step %scan3A_174  : i32 {
        %mul3A_378 = arith.constant 1 : i32
        %mul3A_379 = arith.muli %scan3A_377, %mul3A_378 : i32
        %add3A_380 = arith.constant 0 : i32
        %add3A_381 = arith.addi %add3A_380, %mul3A_379 : i32
        %broadcast_in_dim3A = arith.constant 0 : i32
        %broadcast_in_dim3A_382 = vector.broadcast %broadcast_in_dim3A : i32 to vector<16xi32>
        %add3A_383 = vector.broadcast %add3A_381 : i32 to vector<16xi32>
        %add3A_384 = arith.addi %broadcast_in_dim3A_382, %add3A_383 : vector<16xi32>
        %get3A = arith.constant 0 : i32
        %get3A_385 = arith.index_cast %get3A : i32 to index
        %get3A_386 = arith.index_cast %add3A_381 : i32 to index
        %get3A_387 = arith.constant 0 : index
        %get3A_388 = tpu.vector_load %arg6[%get3A_385, %get3A_386, %get3A_387] {strides = array<i32>} : memref<4x128x64xf32, #tpu.memory_space<vmem>>, vector<16xf32>,
        %add3A_389 = arith.constant 0 : i32
        %add3A_390 = vector.broadcast %add3A_389 : i32 to vector<16xi32>
        %add3A_391 = arith.addi %add3A_390, %convert_element_type3A : vector<16xi32>
        %scatter3A = arith.constant 0 : i32
        %scatter3A_392 = arith.constant 0 : i32
        %scatter3A_393 = arith.constant 0 : i32
        %scatter3A_394 = arith.constant 0 : i32
        %scatter3A_395 = tpu.memref_slice %arg7[%scatter3A, %scatter3A_392, %scatter3A_393, %scatter3A_394] : memref<4x8x8x129xf32, #tpu.memory_space<vmem>> -> memref<1x8x8x129xf32, #tpu.memory_space<vmem>>
        %scatter3A_396 = tpu.memref_squeeze %scatter3A_395 : memref<1x8x8x129xf32, #tpu.memory_space<vmem>> -> memref<8x8x129xf32, #tpu.memory_space<vmem>>
        tpu.vector_store_idx %scatter3A_396[%add3A_391, %and3A_4, %add3A_384], %get3A_388 : memref<8x8x129xf32, #tpu.memory_space<vmem>>[vector<16xi32>, vector<16xi32>, vector<16xi32>], vector<16xf32>,
        %get3A_397 = arith.constant 0 : i32
        %get3A_398 = arith.index_cast %get3A_397 : i32 to index
        %get3A_399 = arith.index_cast %add3A_381 : i32 to index
        %get3A_400 = arith.constant 16 : index
        %get3A_401 = tpu.vector_load %arg6[%get3A_398, %get3A_399, %get3A_400] {strides = array<i32>} : memref<4x128x64xf32, #tpu.memory_space<vmem>>, vector<16xf32>,
        %add3A_402 = arith.constant 2 : i32
        %add3A_403 = vector.broadcast %add3A_402 : i32 to vector<16xi32>
        %add3A_404 = arith.addi %add3A_403, %convert_element_type3A : vector<16xi32>
        %scatter3A_405 = arith.constant 0 : i32
        %scatter3A_406 = arith.constant 0 : i32
        %scatter3A_407 = arith.constant 0 : i32
        %scatter3A_408 = arith.constant 0 : i32
        %scatter3A_409 = tpu.memref_slice %arg7[%scatter3A_405, %scatter3A_406, %scatter3A_407, %scatter3A_408] : memref<4x8x8x129xf32, #tpu.memory_space<vmem>> -> memref<1x8x8x129xf32, #tpu.memory_space<vmem>>
        %scatter3A_410 = tpu.memref_squeeze %scatter3A_409 : memref<1x8x8x129xf32, #tpu.memory_space<vmem>> -> memref<8x8x129xf32, #tpu.memory_space<vmem>>
        tpu.vector_store_idx %scatter3A_410[%add3A_404, %and3A_4, %add3A_384], %get3A_401 : memref<8x8x129xf32, #tpu.memory_space<vmem>>[vector<16xi32>, vector<16xi32>, vector<16xi32>], vector<16xf32>,
        %get3A_411 = arith.constant 0 : i32
        %get3A_412 = arith.index_cast %get3A_411 : i32 to index
        %get3A_413 = arith.index_cast %add3A_381 : i32 to index
        %get3A_414 = arith.constant 32 : index
        %get3A_415 = tpu.vector_load %arg6[%get3A_412, %get3A_413, %get3A_414] {strides = array<i32>} : memref<4x128x64xf32, #tpu.memory_space<vmem>>, vector<16xf32>,
        %add3A_416 = arith.constant 4 : i32
        %add3A_417 = vector.broadcast %add3A_416 : i32 to vector<16xi32>
        %add3A_418 = arith.addi %add3A_417, %convert_element_type3A : vector<16xi32>
        %scatter3A_419 = arith.constant 0 : i32
        %scatter3A_420 = arith.constant 0 : i32
        %scatter3A_421 = arith.constant 0 : i32
        %scatter3A_422 = arith.constant 0 : i32
        %scatter3A_423 = tpu.memref_slice %arg7[%scatter3A_419, %scatter3A_420, %scatter3A_421, %scatter3A_422] : memref<4x8x8x129xf32, #tpu.memory_space<vmem>> -> memref<1x8x8x129xf32, #tpu.memory_space<vmem>>
        %scatter3A_424 = tpu.memref_squeeze %scatter3A_423 : memref<1x8x8x129xf32, #tpu.memory_space<vmem>> -> memref<8x8x129xf32, #tpu.memory_space<vmem>>
        tpu.vector_store_idx %scatter3A_424[%add3A_418, %and3A_4, %add3A_384], %get3A_415 : memref<8x8x129xf32, #tpu.memory_space<vmem>>[vector<16xi32>, vector<16xi32>, vector<16xi32>], vector<16xf32>,
        %get3A_425 = arith.constant 0 : i32
        %get3A_426 = arith.index_cast %get3A_425 : i32 to index
        %get3A_427 = arith.index_cast %add3A_381 : i32 to index
        %get3A_428 = arith.constant 48 : index
        %get3A_429 = tpu.vector_load %arg6[%get3A_426, %get3A_427, %get3A_428] {strides = array<i32>} : memref<4x128x64xf32, #tpu.memory_space<vmem>>, vector<16xf32>,
        %add3A_430 = arith.constant 6 : i32
        %add3A_431 = vector.broadcast %add3A_430 : i32 to vector<16xi32>
        %add3A_432 = arith.addi %add3A_431, %convert_element_type3A : vector<16xi32>
        %scatter3A_433 = arith.constant 0 : i32
        %scatter3A_434 = arith.constant 0 : i32
        %scatter3A_435 = arith.constant 0 : i32
        %scatter3A_436 = arith.constant 0 : i32
        %scatter3A_437 = tpu.memref_slice %arg7[%scatter3A_433, %scatter3A_434, %scatter3A_435, %scatter3A_436] : memref<4x8x8x129xf32, #tpu.memory_space<vmem>> -> memref<1x8x8x129xf32, #tpu.memory_space<vmem>>
        %scatter3A_438 = tpu.memref_squeeze %scatter3A_437 : memref<1x8x8x129xf32, #tpu.memory_space<vmem>> -> memref<8x8x129xf32, #tpu.memory_space<vmem>>
        tpu.vector_store_idx %scatter3A_438[%add3A_432, %and3A_4, %add3A_384], %get3A_429 : memref<8x8x129xf32, #tpu.memory_space<vmem>>[vector<16xi32>, vector<16xi32>, vector<16xi32>], vector<16xf32>,
      }
      %scan3A_175 = arith.constant 128 : i32
      %dma_start3A_176 = arith.constant 0 : i32
      %dma_start3A_177 = arith.constant 0 : i32
      %dma_start3A_178 = arith.constant 0 : i32
      %dma_start3A_179 = arith.constant 0 : i32
      %dma_start3A_180 = tpu.memref_slice %arg7[%dma_start3A_176, %dma_start3A_177, %dma_start3A_178, %dma_start3A_179] : memref<4x8x8x129xf32, #tpu.memory_space<vmem>> -> memref<1x8x8x128xf32, #tpu.memory_space<vmem>>
      %dma_start3A_181 = tpu.memref_squeeze %dma_start3A_180 : memref<1x8x8x128xf32, #tpu.memory_space<vmem>> -> memref<8x8x128xf32, #tpu.memory_space<vmem>>
      %dma_start3A_182 = arith.constant 0 : i32
      %dma_start3A_183 = arith.constant 0 : i32
      %dma_start3A_184 = arith.constant 0 : i32
      %dma_start3A_185 = tpu.memref_slice %arg4[%add3A_151, %dma_start3A_182, %add3A, %dma_start3A_183, %dma_start3A_184] : memref<200x8x32x8x128xf32, #tpu.memory_space<hbm>> -> memref<1x8x1x8x128xf32, #tpu.memory_space<hbm>>
      %dma_start3A_186 = tpu.memref_squeeze %dma_start3A_185 : memref<1x8x1x8x128xf32, #tpu.memory_space<hbm>> -> memref<8x8x128xf32, #tpu.memory_space<hbm>>
      %dma_start3A_187 = arith.constant 0 : i32
      %dma_start3A_188 = arith.constant 0 : i32
      %dma_start3A_189 = arith.constant 0 : i32
      %dma_start3A_190 = tpu.memref_slice %arg4[%add3A_151, %dma_start3A_187, %add3A, %dma_start3A_188, %dma_start3A_189] : memref<200x8x32x8x128xf32, #tpu.memory_space<hbm>> -> memref<1x8x1x8x128xf32, #tpu.memory_space<hbm>>
      %dma_start3A_191 = tpu.memref_squeeze %dma_start3A_190 : memref<1x8x1x8x128xf32, #tpu.memory_space<hbm>> -> memref<8x8x128xf32, #tpu.memory_space<hbm>>
      %dma_start3A_192 = arith.constant 0 : i32
      %dma_start3A_193 = arith.constant 0 : i32
      %dma_start3A_194 = arith.constant 0 : i32
      %dma_start3A_195 = tpu.memref_slice %arg7[%dma_start3A_176, %dma_start3A_192, %dma_start3A_193, %dma_start3A_194] : memref<4x8x8x129xf32, #tpu.memory_space<vmem>> -> memref<1x8x8x128xf32, #tpu.memory_space<vmem>>
      %dma_start3A_196 = tpu.memref_squeeze %dma_start3A_195 : memref<1x8x8x128xf32, #tpu.memory_space<vmem>> -> memref<8x8x128xf32, #tpu.memory_space<vmem>>
      tpu.enqueue_dma source(%dma_start3A_196 : memref<8x8x128xf32, #tpu.memory_space<vmem>>) target(%dma_start3A_191 : memref<8x8x128xf32, #tpu.memory_space<hbm>>) target_semaphore(%arg12 : memref<!tpu.dma_semaphore, #tpu.memory_space<semaphore_mem>>)
      %add3A_197 = arith.constant 4 : i32
      %add3A_198 = arith.addi %add3A_151, %add3A_197 : i32
      %lt3A = arith.constant 200 : i32
      %lt3A_199 = arith.cmpi slt, %add3A_198, %lt3A : i32
      %convert_element_type3A_200 = arith.extui %lt3A_199 : i1 to i32
      %cond3A_201 = arith.constant 0 : i32
      %cond3A_202 = arith.cmpi ne, %convert_element_type3A_200, %cond3A_201 : i32
      scf.if %cond3A_202 {
        %add3A_377 = arith.constant 4 : i32
        %add3A_378 = arith.addi %add3A_151, %add3A_377 : i32
        %shift_right_arithmetic3A_379 = arith.constant 3 : i32
        %shift_right_arithmetic3A_380 = arith.shrsi %add3A_378, %shift_right_arithmetic3A_379 : i32
        %and3A_381 = arith.constant 7 : i32
        %and3A_382 = arith.andi %add3A_378, %and3A_381 : i32
        %mul3A_383 = arith.constant 128 : i32
        %mul3A_384 = arith.muli %and3A_382, %mul3A_383 : i32
        %dma_start3A_385 = arith.constant 0 : i32
        %dma_start3A_386 = arith.constant 0 : i32
        %dma_start3A_387 = arith.constant 0 : i32
        %dma_start3A_388 = tpu.memref_slice %arg6[%dma_start3A_385, %dma_start3A_386, %dma_start3A_387] : memref<4x128x64xf32, #tpu.memory_space<vmem>> -> memref<1x128x64xf32, #tpu.memory_space<vmem>>
        %dma_start3A_389 = tpu.memref_squeeze %dma_start3A_388 : memref<1x128x64xf32, #tpu.memory_space<vmem>> -> memref<128x64xf32, #tpu.memory_space<vmem>>
        %dma_start3A_390 = tpu.memref_slice %arg5[%shift_right_arithmetic3A_380, %mul3A_384] : memref<25x1024xi32, #tpu.memory_space<vmem>> -> memref<1x128xi32, #tpu.memory_space<vmem>>
        %dma_start3A_391 = tpu.memref_squeeze %dma_start3A_390 : memref<1x128xi32, #tpu.memory_space<vmem>> -> memref<128xi32, #tpu.memory_space<vmem>>
        %dma_start3A_392 = arith.constant 0 : i32
        %dma_start3A_393 = arith.constant 0 : i32
        %dma_start3A_394 = tpu.memref_slice %arg3[%dma_start3A_392, %dma_start3A_393] : memref<1000000x64xf32, #tpu.memory_space<hbm>> -> memref<1000000x64xf32, #tpu.memory_space<hbm>>
        tpu.enqueue_indirect_dma source(%dma_start3A_394 : memref<1000000x64xf32, #tpu.memory_space<hbm>>) target(%dma_start3A_389 : memref<128x64xf32, #tpu.memory_space<vmem>>) offsets(%dma_start3A_391 : memref<128xi32, #tpu.memory_space<vmem>>) semaphore(%arg8 : memref<!tpu.dma_semaphore, #tpu.memory_space<semaphore_mem>>)
      } else {
      }
      %mul3A_203 = arith.constant 4 : i32
      %mul3A_204 = arith.muli %mul3A_203, %add3A_147 : i32
      %add3A_205 = arith.constant 1 : i32
      %add3A_206 = arith.addi %mul3A_204, %add3A_205 : i32
      %shift_right_arithmetic3A_207 = arith.constant 3 : i32
      %shift_right_arithmetic3A_208 = arith.shrsi %add3A_206, %shift_right_arithmetic3A_207 : i32
      %and3A_209 = arith.constant 7 : i32
      %and3A_210 = arith.andi %add3A_206, %and3A_209 : i32
      %mul3A_211 = arith.constant 128 : i32
      %mul3A_212 = arith.muli %and3A_210, %mul3A_211 : i32
      %dma_wait3A_213 = arith.constant 1 : i32
      %dma_wait3A_214 = arith.constant 0 : i32
      %dma_wait3A_215 = arith.constant 0 : i32
      %dma_wait3A_216 = tpu.memref_slice %arg6[%dma_wait3A_213, %dma_wait3A_214, %dma_wait3A_215] : memref<4x128x64xf32, #tpu.memory_space<vmem>> -> memref<1x128x64xf32, #tpu.memory_space<vmem>>
      %dma_wait3A_217 = tpu.memref_squeeze %dma_wait3A_216 : memref<1x128x64xf32, #tpu.memory_space<vmem>> -> memref<128x64xf32, #tpu.memory_space<vmem>>
      %dma_wait3A_218 = tpu.memref_slice %arg5[%shift_right_arithmetic3A_208, %mul3A_212] : memref<25x1024xi32, #tpu.memory_space<vmem>> -> memref<1x128xi32, #tpu.memory_space<vmem>>
      %dma_wait3A_219 = tpu.memref_squeeze %dma_wait3A_218 : memref<1x128xi32, #tpu.memory_space<vmem>> -> memref<128xi32, #tpu.memory_space<vmem>>
      %dma_wait3A_220 = arith.constant 0 : i32
      %dma_wait3A_221 = arith.constant 0 : i32
      %dma_wait3A_222 = tpu.memref_slice %arg3[%dma_wait3A_220, %dma_wait3A_221] : memref<1000000x64xf32, #tpu.memory_space<hbm>> -> memref<1000000x64xf32, #tpu.memory_space<hbm>>
      tpu.wait_indirect_dma semaphore(%arg9 : memref<!tpu.dma_semaphore, #tpu.memory_space<semaphore_mem>>) src(%dma_wait3A_222 : memref<1000000x64xf32, #tpu.memory_space<hbm>>) dst(%dma_wait3A_217 : memref<128x64xf32, #tpu.memory_space<vmem>>)
      %ge3A_223 = arith.constant 4 : i32
      %ge3A_224 = arith.cmpi sge, %add3A_206, %ge3A_223 : i32
      %convert_element_type3A_225 = arith.extui %ge3A_224 : i1 to i32
      %cond3A_226 = arith.constant 0 : i32
      %cond3A_227 = arith.cmpi ne, %convert_element_type3A_225, %cond3A_226 : i32
      scf.if %cond3A_227 {
        %sub3A = arith.constant 4 : i32
        %sub3A_377 = arith.subi %add3A_206, %sub3A : i32
        %dma_wait3A_378 = arith.constant 1 : i32
        %dma_wait3A_379 = arith.constant 0 : i32
        %dma_wait3A_380 = arith.constant 0 : i32
        %dma_wait3A_381 = arith.constant 0 : i32
        %dma_wait3A_382 = tpu.memref_slice %arg7[%dma_wait3A_378, %dma_wait3A_379, %dma_wait3A_380, %dma_wait3A_381] : memref<4x8x8x129xf32, #tpu.memory_space<vmem>> -> memref<1x8x8x128xf32, #tpu.memory_space<vmem>>
        %dma_wait3A_383 = tpu.memref_squeeze %dma_wait3A_382 : memref<1x8x8x128xf32, #tpu.memory_space<vmem>> -> memref<8x8x128xf32, #tpu.memory_space<vmem>>
        %dma_wait3A_384 = arith.constant 0 : i32
        %dma_wait3A_385 = arith.constant 0 : i32
        %dma_wait3A_386 = arith.constant 0 : i32
        %dma_wait3A_387 = tpu.memref_slice %arg4[%sub3A_377, %dma_wait3A_384, %add3A, %dma_wait3A_385, %dma_wait3A_386] : memref<200x8x32x8x128xf32, #tpu.memory_space<hbm>> -> memref<1x8x1x8x128xf32, #tpu.memory_space<hbm>>
        %dma_wait3A_388 = tpu.memref_squeeze %dma_wait3A_387 : memref<1x8x1x8x128xf32, #tpu.memory_space<hbm>> -> memref<8x8x128xf32, #tpu.memory_space<hbm>>
        %dma_wait3A_389 = arith.constant 0 : i32
        %dma_wait3A_390 = arith.constant 0 : i32
        %dma_wait3A_391 = arith.constant 0 : i32
        %dma_wait3A_392 = tpu.memref_slice %arg4[%sub3A_377, %dma_wait3A_389, %add3A, %dma_wait3A_390, %dma_wait3A_391] : memref<200x8x32x8x128xf32, #tpu.memory_space<hbm>> -> memref<1x8x1x8x128xf32, #tpu.memory_space<hbm>>
        %dma_wait3A_393 = tpu.memref_squeeze %dma_wait3A_392 : memref<1x8x1x8x128xf32, #tpu.memory_space<hbm>> -> memref<8x8x128xf32, #tpu.memory_space<hbm>>
        %dma_wait3A_394 = arith.constant 0 : i32
        %dma_wait3A_395 = arith.constant 0 : i32
        %dma_wait3A_396 = arith.constant 0 : i32
        %dma_wait3A_397 = tpu.memref_slice %arg7[%dma_wait3A_378, %dma_wait3A_394, %dma_wait3A_395, %dma_wait3A_396] : memref<4x8x8x129xf32, #tpu.memory_space<vmem>> -> memref<1x8x8x128xf32, #tpu.memory_space<vmem>>
        %dma_wait3A_398 = tpu.memref_squeeze %dma_wait3A_397 : memref<1x8x8x128xf32, #tpu.memory_space<vmem>> -> memref<8x8x128xf32, #tpu.memory_space<vmem>>
        tpu.wait_dma2 semaphore(%arg13 : memref<!tpu.dma_semaphore, #tpu.memory_space<semaphore_mem>>) src(%dma_wait3A_398 : memref<8x8x128xf32, #tpu.memory_space<vmem>>) dst(%dma_wait3A_393 : memref<8x8x128xf32, #tpu.memory_space<hbm>>)
      } else {
      }
      %scan3A_228 = arith.constant 0 : i32
      %scan3A_229 = arith.constant 128 : i32
      %scan3A_230 = arith.addi %scan3A_228, %scan3A_229 : i32
      %scan3A_231 = arith.constant 1 : i32
      scf.for %scan3A_377 = %scan3A_228 to %scan3A_230 step %scan3A_231  : i32 {
        %mul3A_378 = arith.constant 1 : i32
        %mul3A_379 = arith.muli %scan3A_377, %mul3A_378 : i32
        %add3A_380 = arith.constant 0 : i32
        %add3A_381 = arith.addi %add3A_380, %mul3A_379 : i32
        %broadcast_in_dim3A = arith.constant 0 : i32
        %broadcast_in_dim3A_382 = vector.broadcast %broadcast_in_dim3A : i32 to vector<16xi32>
        %add3A_383 = vector.broadcast %add3A_381 : i32 to vector<16xi32>
        %add3A_384 = arith.addi %broadcast_in_dim3A_382, %add3A_383 : vector<16xi32>
        %get3A = arith.constant 1 : i32
        %get3A_385 = arith.index_cast %get3A : i32 to index
        %get3A_386 = arith.index_cast %add3A_381 : i32 to index
        %get3A_387 = arith.constant 0 : index
        %get3A_388 = tpu.vector_load %arg6[%get3A_385, %get3A_386, %get3A_387] {strides = array<i32>} : memref<4x128x64xf32, #tpu.memory_space<vmem>>, vector<16xf32>,
        %add3A_389 = arith.constant 0 : i32
        %add3A_390 = vector.broadcast %add3A_389 : i32 to vector<16xi32>
        %add3A_391 = arith.addi %add3A_390, %convert_element_type3A : vector<16xi32>
        %scatter3A = arith.constant 1 : i32
        %scatter3A_392 = arith.constant 0 : i32
        %scatter3A_393 = arith.constant 0 : i32
        %scatter3A_394 = arith.constant 0 : i32
        %scatter3A_395 = tpu.memref_slice %arg7[%scatter3A, %scatter3A_392, %scatter3A_393, %scatter3A_394] : memref<4x8x8x129xf32, #tpu.memory_space<vmem>> -> memref<1x8x8x129xf32, #tpu.memory_space<vmem>>
        %scatter3A_396 = tpu.memref_squeeze %scatter3A_395 : memref<1x8x8x129xf32, #tpu.memory_space<vmem>> -> memref<8x8x129xf32, #tpu.memory_space<vmem>>
        tpu.vector_store_idx %scatter3A_396[%add3A_391, %and3A_4, %add3A_384], %get3A_388 : memref<8x8x129xf32, #tpu.memory_space<vmem>>[vector<16xi32>, vector<16xi32>, vector<16xi32>], vector<16xf32>,
        %get3A_397 = arith.constant 1 : i32
        %get3A_398 = arith.index_cast %get3A_397 : i32 to index
        %get3A_399 = arith.index_cast %add3A_381 : i32 to index
        %get3A_400 = arith.constant 16 : index
        %get3A_401 = tpu.vector_load %arg6[%get3A_398, %get3A_399, %get3A_400] {strides = array<i32>} : memref<4x128x64xf32, #tpu.memory_space<vmem>>, vector<16xf32>,
        %add3A_402 = arith.constant 2 : i32
        %add3A_403 = vector.broadcast %add3A_402 : i32 to vector<16xi32>
        %add3A_404 = arith.addi %add3A_403, %convert_element_type3A : vector<16xi32>
        %scatter3A_405 = arith.constant 1 : i32
        %scatter3A_406 = arith.constant 0 : i32
        %scatter3A_407 = arith.constant 0 : i32
        %scatter3A_408 = arith.constant 0 : i32
        %scatter3A_409 = tpu.memref_slice %arg7[%scatter3A_405, %scatter3A_406, %scatter3A_407, %scatter3A_408] : memref<4x8x8x129xf32, #tpu.memory_space<vmem>> -> memref<1x8x8x129xf32, #tpu.memory_space<vmem>>
        %scatter3A_410 = tpu.memref_squeeze %scatter3A_409 : memref<1x8x8x129xf32, #tpu.memory_space<vmem>> -> memref<8x8x129xf32, #tpu.memory_space<vmem>>
        tpu.vector_store_idx %scatter3A_410[%add3A_404, %and3A_4, %add3A_384], %get3A_401 : memref<8x8x129xf32, #tpu.memory_space<vmem>>[vector<16xi32>, vector<16xi32>, vector<16xi32>], vector<16xf32>,
        %get3A_411 = arith.constant 1 : i32
        %get3A_412 = arith.index_cast %get3A_411 : i32 to index
        %get3A_413 = arith.index_cast %add3A_381 : i32 to index
        %get3A_414 = arith.constant 32 : index
        %get3A_415 = tpu.vector_load %arg6[%get3A_412, %get3A_413, %get3A_414] {strides = array<i32>} : memref<4x128x64xf32, #tpu.memory_space<vmem>>, vector<16xf32>,
        %add3A_416 = arith.constant 4 : i32
        %add3A_417 = vector.broadcast %add3A_416 : i32 to vector<16xi32>
        %add3A_418 = arith.addi %add3A_417, %convert_element_type3A : vector<16xi32>
        %scatter3A_419 = arith.constant 1 : i32
        %scatter3A_420 = arith.constant 0 : i32
        %scatter3A_421 = arith.constant 0 : i32
        %scatter3A_422 = arith.constant 0 : i32
        %scatter3A_423 = tpu.memref_slice %arg7[%scatter3A_419, %scatter3A_420, %scatter3A_421, %scatter3A_422] : memref<4x8x8x129xf32, #tpu.memory_space<vmem>> -> memref<1x8x8x129xf32, #tpu.memory_space<vmem>>
        %scatter3A_424 = tpu.memref_squeeze %scatter3A_423 : memref<1x8x8x129xf32, #tpu.memory_space<vmem>> -> memref<8x8x129xf32, #tpu.memory_space<vmem>>
        tpu.vector_store_idx %scatter3A_424[%add3A_418, %and3A_4, %add3A_384], %get3A_415 : memref<8x8x129xf32, #tpu.memory_space<vmem>>[vector<16xi32>, vector<16xi32>, vector<16xi32>], vector<16xf32>,
        %get3A_425 = arith.constant 1 : i32
        %get3A_426 = arith.index_cast %get3A_425 : i32 to index
        %get3A_427 = arith.index_cast %add3A_381 : i32 to index
        %get3A_428 = arith.constant 48 : index
        %get3A_429 = tpu.vector_load %arg6[%get3A_426, %get3A_427, %get3A_428] {strides = array<i32>} : memref<4x128x64xf32, #tpu.memory_space<vmem>>, vector<16xf32>,
        %add3A_430 = arith.constant 6 : i32
        %add3A_431 = vector.broadcast %add3A_430 : i32 to vector<16xi32>
        %add3A_432 = arith.addi %add3A_431, %convert_element_type3A : vector<16xi32>
        %scatter3A_433 = arith.constant 1 : i32
        %scatter3A_434 = arith.constant 0 : i32
        %scatter3A_435 = arith.constant 0 : i32
        %scatter3A_436 = arith.constant 0 : i32
        %scatter3A_437 = tpu.memref_slice %arg7[%scatter3A_433, %scatter3A_434, %scatter3A_435, %scatter3A_436] : memref<4x8x8x129xf32, #tpu.memory_space<vmem>> -> memref<1x8x8x129xf32, #tpu.memory_space<vmem>>
        %scatter3A_438 = tpu.memref_squeeze %scatter3A_437 : memref<1x8x8x129xf32, #tpu.memory_space<vmem>> -> memref<8x8x129xf32, #tpu.memory_space<vmem>>
        tpu.vector_store_idx %scatter3A_438[%add3A_432, %and3A_4, %add3A_384], %get3A_429 : memref<8x8x129xf32, #tpu.memory_space<vmem>>[vector<16xi32>, vector<16xi32>, vector<16xi32>], vector<16xf32>,
      }
      %scan3A_232 = arith.constant 128 : i32
      %dma_start3A_233 = arith.constant 1 : i32
      %dma_start3A_234 = arith.constant 0 : i32
      %dma_start3A_235 = arith.constant 0 : i32
      %dma_start3A_236 = arith.constant 0 : i32
      %dma_start3A_237 = tpu.memref_slice %arg7[%dma_start3A_233, %dma_start3A_234, %dma_start3A_235, %dma_start3A_236] : memref<4x8x8x129xf32, #tpu.memory_space<vmem>> -> memref<1x8x8x128xf32, #tpu.memory_space<vmem>>
      %dma_start3A_238 = tpu.memref_squeeze %dma_start3A_237 : memref<1x8x8x128xf32, #tpu.memory_space<vmem>> -> memref<8x8x128xf32, #tpu.memory_space<vmem>>
      %dma_start3A_239 = arith.constant 0 : i32
      %dma_start3A_240 = arith.constant 0 : i32
      %dma_start3A_241 = arith.constant 0 : i32
      %dma_start3A_242 = tpu.memref_slice %arg4[%add3A_206, %dma_start3A_239, %add3A, %dma_start3A_240, %dma_start3A_241] : memref<200x8x32x8x128xf32, #tpu.memory_space<hbm>> -> memref<1x8x1x8x128xf32, #tpu.memory_space<hbm>>
      %dma_start3A_243 = tpu.memref_squeeze %dma_start3A_242 : memref<1x8x1x8x128xf32, #tpu.memory_space<hbm>> -> memref<8x8x128xf32, #tpu.memory_space<hbm>>
      %dma_start3A_244 = arith.constant 0 : i32
      %dma_start3A_245 = arith.constant 0 : i32
      %dma_start3A_246 = arith.constant 0 : i32
      %dma_start3A_247 = tpu.memref_slice %arg4[%add3A_206, %dma_start3A_244, %add3A, %dma_start3A_245, %dma_start3A_246] : memref<200x8x32x8x128xf32, #tpu.memory_space<hbm>> -> memref<1x8x1x8x128xf32, #tpu.memory_space<hbm>>
      %dma_start3A_248 = tpu.memref_squeeze %dma_start3A_247 : memref<1x8x1x8x128xf32, #tpu.memory_space<hbm>> -> memref<8x8x128xf32, #tpu.memory_space<hbm>>
      %dma_start3A_249 = arith.constant 0 : i32
      %dma_start3A_250 = arith.constant 0 : i32
      %dma_start3A_251 = arith.constant 0 : i32
      %dma_start3A_252 = tpu.memref_slice %arg7[%dma_start3A_233, %dma_start3A_249, %dma_start3A_250, %dma_start3A_251] : memref<4x8x8x129xf32, #tpu.memory_space<vmem>> -> memref<1x8x8x128xf32, #tpu.memory_space<vmem>>
      %dma_start3A_253 = tpu.memref_squeeze %dma_start3A_252 : memref<1x8x8x128xf32, #tpu.memory_space<vmem>> -> memref<8x8x128xf32, #tpu.memory_space<vmem>>
      tpu.enqueue_dma source(%dma_start3A_253 : memref<8x8x128xf32, #tpu.memory_space<vmem>>) target(%dma_start3A_248 : memref<8x8x128xf32, #tpu.memory_space<hbm>>) target_semaphore(%arg13 : memref<!tpu.dma_semaphore, #tpu.memory_space<semaphore_mem>>)
      %add3A_254 = arith.constant 4 : i32
      %add3A_255 = arith.addi %add3A_206, %add3A_254 : i32
      %lt3A_256 = arith.constant 200 : i32
      %lt3A_257 = arith.cmpi slt, %add3A_255, %lt3A_256 : i32
      %convert_element_type3A_258 = arith.extui %lt3A_257 : i1 to i32
      %cond3A_259 = arith.constant 0 : i32
      %cond3A_260 = arith.cmpi ne, %convert_element_type3A_258, %cond3A_259 : i32
      scf.if %cond3A_260 {
        %add3A_377 = arith.constant 4 : i32
        %add3A_378 = arith.addi %add3A_206, %add3A_377 : i32
        %shift_right_arithmetic3A_379 = arith.constant 3 : i32
        %shift_right_arithmetic3A_380 = arith.shrsi %add3A_378, %shift_right_arithmetic3A_379 : i32
        %and3A_381 = arith.constant 7 : i32
        %and3A_382 = arith.andi %add3A_378, %and3A_381 : i32
        %mul3A_383 = arith.constant 128 : i32
        %mul3A_384 = arith.muli %and3A_382, %mul3A_383 : i32
        %dma_start3A_385 = arith.constant 1 : i32
        %dma_start3A_386 = arith.constant 0 : i32
        %dma_start3A_387 = arith.constant 0 : i32
        %dma_start3A_388 = tpu.memref_slice %arg6[%dma_start3A_385, %dma_start3A_386, %dma_start3A_387] : memref<4x128x64xf32, #tpu.memory_space<vmem>> -> memref<1x128x64xf32, #tpu.memory_space<vmem>>
        %dma_start3A_389 = tpu.memref_squeeze %dma_start3A_388 : memref<1x128x64xf32, #tpu.memory_space<vmem>> -> memref<128x64xf32, #tpu.memory_space<vmem>>
        %dma_start3A_390 = tpu.memref_slice %arg5[%shift_right_arithmetic3A_380, %mul3A_384] : memref<25x1024xi32, #tpu.memory_space<vmem>> -> memref<1x128xi32, #tpu.memory_space<vmem>>
        %dma_start3A_391 = tpu.memref_squeeze %dma_start3A_390 : memref<1x128xi32, #tpu.memory_space<vmem>> -> memref<128xi32, #tpu.memory_space<vmem>>
        %dma_start3A_392 = arith.constant 0 : i32
        %dma_start3A_393 = arith.constant 0 : i32
        %dma_start3A_394 = tpu.memref_slice %arg3[%dma_start3A_392, %dma_start3A_393] : memref<1000000x64xf32, #tpu.memory_space<hbm>> -> memref<1000000x64xf32, #tpu.memory_space<hbm>>
        tpu.enqueue_indirect_dma source(%dma_start3A_394 : memref<1000000x64xf32, #tpu.memory_space<hbm>>) target(%dma_start3A_389 : memref<128x64xf32, #tpu.memory_space<vmem>>) offsets(%dma_start3A_391 : memref<128xi32, #tpu.memory_space<vmem>>) semaphore(%arg9 : memref<!tpu.dma_semaphore, #tpu.memory_space<semaphore_mem>>)
      } else {
      }
      %mul3A_261 = arith.constant 4 : i32
      %mul3A_262 = arith.muli %mul3A_261, %add3A_147 : i32
      %add3A_263 = arith.constant 2 : i32
      %add3A_264 = arith.addi %mul3A_262, %add3A_263 : i32
      %shift_right_arithmetic3A_265 = arith.constant 3 : i32
      %shift_right_arithmetic3A_266 = arith.shrsi %add3A_264, %shift_right_arithmetic3A_265 : i32
      %and3A_267 = arith.constant 7 : i32
      %and3A_268 = arith.andi %add3A_264, %and3A_267 : i32
      %mul3A_269 = arith.constant 128 : i32
      %mul3A_270 = arith.muli %and3A_268, %mul3A_269 : i32
      %dma_wait3A_271 = arith.constant 2 : i32
      %dma_wait3A_272 = arith.constant 0 : i32
      %dma_wait3A_273 = arith.constant 0 : i32
      %dma_wait3A_274 = tpu.memref_slice %arg6[%dma_wait3A_271, %dma_wait3A_272, %dma_wait3A_273] : memref<4x128x64xf32, #tpu.memory_space<vmem>> -> memref<1x128x64xf32, #tpu.memory_space<vmem>>
      %dma_wait3A_275 = tpu.memref_squeeze %dma_wait3A_274 : memref<1x128x64xf32, #tpu.memory_space<vmem>> -> memref<128x64xf32, #tpu.memory_space<vmem>>
      %dma_wait3A_276 = tpu.memref_slice %arg5[%shift_right_arithmetic3A_266, %mul3A_270] : memref<25x1024xi32, #tpu.memory_space<vmem>> -> memref<1x128xi32, #tpu.memory_space<vmem>>
      %dma_wait3A_277 = tpu.memref_squeeze %dma_wait3A_276 : memref<1x128xi32, #tpu.memory_space<vmem>> -> memref<128xi32, #tpu.memory_space<vmem>>
      %dma_wait3A_278 = arith.constant 0 : i32
      %dma_wait3A_279 = arith.constant 0 : i32
      %dma_wait3A_280 = tpu.memref_slice %arg3[%dma_wait3A_278, %dma_wait3A_279] : memref<1000000x64xf32, #tpu.memory_space<hbm>> -> memref<1000000x64xf32, #tpu.memory_space<hbm>>
      tpu.wait_indirect_dma semaphore(%arg10 : memref<!tpu.dma_semaphore, #tpu.memory_space<semaphore_mem>>) src(%dma_wait3A_280 : memref<1000000x64xf32, #tpu.memory_space<hbm>>) dst(%dma_wait3A_275 : memref<128x64xf32, #tpu.memory_space<vmem>>)
      %ge3A_281 = arith.constant 4 : i32
      %ge3A_282 = arith.cmpi sge, %add3A_264, %ge3A_281 : i32
      %convert_element_type3A_283 = arith.extui %ge3A_282 : i1 to i32
      %cond3A_284 = arith.constant 0 : i32
      %cond3A_285 = arith.cmpi ne, %convert_element_type3A_283, %cond3A_284 : i32
      scf.if %cond3A_285 {
        %sub3A = arith.constant 4 : i32
        %sub3A_377 = arith.subi %add3A_264, %sub3A : i32
        %dma_wait3A_378 = arith.constant 2 : i32
        %dma_wait3A_379 = arith.constant 0 : i32
        %dma_wait3A_380 = arith.constant 0 : i32
        %dma_wait3A_381 = arith.constant 0 : i32
        %dma_wait3A_382 = tpu.memref_slice %arg7[%dma_wait3A_378, %dma_wait3A_379, %dma_wait3A_380, %dma_wait3A_381] : memref<4x8x8x129xf32, #tpu.memory_space<vmem>> -> memref<1x8x8x128xf32, #tpu.memory_space<vmem>>
        %dma_wait3A_383 = tpu.memref_squeeze %dma_wait3A_382 : memref<1x8x8x128xf32, #tpu.memory_space<vmem>> -> memref<8x8x128xf32, #tpu.memory_space<vmem>>
        %dma_wait3A_384 = arith.constant 0 : i32
        %dma_wait3A_385 = arith.constant 0 : i32
        %dma_wait3A_386 = arith.constant 0 : i32
        %dma_wait3A_387 = tpu.memref_slice %arg4[%sub3A_377, %dma_wait3A_384, %add3A, %dma_wait3A_385, %dma_wait3A_386] : memref<200x8x32x8x128xf32, #tpu.memory_space<hbm>> -> memref<1x8x1x8x128xf32, #tpu.memory_space<hbm>>
        %dma_wait3A_388 = tpu.memref_squeeze %dma_wait3A_387 : memref<1x8x1x8x128xf32, #tpu.memory_space<hbm>> -> memref<8x8x128xf32, #tpu.memory_space<hbm>>
        %dma_wait3A_389 = arith.constant 0 : i32
        %dma_wait3A_390 = arith.constant 0 : i32
        %dma_wait3A_391 = arith.constant 0 : i32
        %dma_wait3A_392 = tpu.memref_slice %arg4[%sub3A_377, %dma_wait3A_389, %add3A, %dma_wait3A_390, %dma_wait3A_391] : memref<200x8x32x8x128xf32, #tpu.memory_space<hbm>> -> memref<1x8x1x8x128xf32, #tpu.memory_space<hbm>>
        %dma_wait3A_393 = tpu.memref_squeeze %dma_wait3A_392 : memref<1x8x1x8x128xf32, #tpu.memory_space<hbm>> -> memref<8x8x128xf32, #tpu.memory_space<hbm>>
        %dma_wait3A_394 = arith.constant 0 : i32
        %dma_wait3A_395 = arith.constant 0 : i32
        %dma_wait3A_396 = arith.constant 0 : i32
        %dma_wait3A_397 = tpu.memref_slice %arg7[%dma_wait3A_378, %dma_wait3A_394, %dma_wait3A_395, %dma_wait3A_396] : memref<4x8x8x129xf32, #tpu.memory_space<vmem>> -> memref<1x8x8x128xf32, #tpu.memory_space<vmem>>
        %dma_wait3A_398 = tpu.memref_squeeze %dma_wait3A_397 : memref<1x8x8x128xf32, #tpu.memory_space<vmem>> -> memref<8x8x128xf32, #tpu.memory_space<vmem>>
        tpu.wait_dma2 semaphore(%arg14 : memref<!tpu.dma_semaphore, #tpu.memory_space<semaphore_mem>>) src(%dma_wait3A_398 : memref<8x8x128xf32, #tpu.memory_space<vmem>>) dst(%dma_wait3A_393 : memref<8x8x128xf32, #tpu.memory_space<hbm>>)
      } else {
      }
      %scan3A_286 = arith.constant 0 : i32
      %scan3A_287 = arith.constant 128 : i32
      %scan3A_288 = arith.addi %scan3A_286, %scan3A_287 : i32
      %scan3A_289 = arith.constant 1 : i32
      scf.for %scan3A_377 = %scan3A_286 to %scan3A_288 step %scan3A_289  : i32 {
        %mul3A_378 = arith.constant 1 : i32
        %mul3A_379 = arith.muli %scan3A_377, %mul3A_378 : i32
        %add3A_380 = arith.constant 0 : i32
        %add3A_381 = arith.addi %add3A_380, %mul3A_379 : i32
        %broadcast_in_dim3A = arith.constant 0 : i32
        %broadcast_in_dim3A_382 = vector.broadcast %broadcast_in_dim3A : i32 to vector<16xi32>
        %add3A_383 = vector.broadcast %add3A_381 : i32 to vector<16xi32>
        %add3A_384 = arith.addi %broadcast_in_dim3A_382, %add3A_383 : vector<16xi32>
        %get3A = arith.constant 2 : i32
        %get3A_385 = arith.index_cast %get3A : i32 to index
        %get3A_386 = arith.index_cast %add3A_381 : i32 to index
        %get3A_387 = arith.constant 0 : index
        %get3A_388 = tpu.vector_load %arg6[%get3A_385, %get3A_386, %get3A_387] {strides = array<i32>} : memref<4x128x64xf32, #tpu.memory_space<vmem>>, vector<16xf32>,
        %add3A_389 = arith.constant 0 : i32
        %add3A_390 = vector.broadcast %add3A_389 : i32 to vector<16xi32>
        %add3A_391 = arith.addi %add3A_390, %convert_element_type3A : vector<16xi32>
        %scatter3A = arith.constant 2 : i32
        %scatter3A_392 = arith.constant 0 : i32
        %scatter3A_393 = arith.constant 0 : i32
        %scatter3A_394 = arith.constant 0 : i32
        %scatter3A_395 = tpu.memref_slice %arg7[%scatter3A, %scatter3A_392, %scatter3A_393, %scatter3A_394] : memref<4x8x8x129xf32, #tpu.memory_space<vmem>> -> memref<1x8x8x129xf32, #tpu.memory_space<vmem>>
        %scatter3A_396 = tpu.memref_squeeze %scatter3A_395 : memref<1x8x8x129xf32, #tpu.memory_space<vmem>> -> memref<8x8x129xf32, #tpu.memory_space<vmem>>
        tpu.vector_store_idx %scatter3A_396[%add3A_391, %and3A_4, %add3A_384], %get3A_388 : memref<8x8x129xf32, #tpu.memory_space<vmem>>[vector<16xi32>, vector<16xi32>, vector<16xi32>], vector<16xf32>,
        %get3A_397 = arith.constant 2 : i32
        %get3A_398 = arith.index_cast %get3A_397 : i32 to index
        %get3A_399 = arith.index_cast %add3A_381 : i32 to index
        %get3A_400 = arith.constant 16 : index
        %get3A_401 = tpu.vector_load %arg6[%get3A_398, %get3A_399, %get3A_400] {strides = array<i32>} : memref<4x128x64xf32, #tpu.memory_space<vmem>>, vector<16xf32>,
        %add3A_402 = arith.constant 2 : i32
        %add3A_403 = vector.broadcast %add3A_402 : i32 to vector<16xi32>
        %add3A_404 = arith.addi %add3A_403, %convert_element_type3A : vector<16xi32>
        %scatter3A_405 = arith.constant 2 : i32
        %scatter3A_406 = arith.constant 0 : i32
        %scatter3A_407 = arith.constant 0 : i32
        %scatter3A_408 = arith.constant 0 : i32
        %scatter3A_409 = tpu.memref_slice %arg7[%scatter3A_405, %scatter3A_406, %scatter3A_407, %scatter3A_408] : memref<4x8x8x129xf32, #tpu.memory_space<vmem>> -> memref<1x8x8x129xf32, #tpu.memory_space<vmem>>
        %scatter3A_410 = tpu.memref_squeeze %scatter3A_409 : memref<1x8x8x129xf32, #tpu.memory_space<vmem>> -> memref<8x8x129xf32, #tpu.memory_space<vmem>>
        tpu.vector_store_idx %scatter3A_410[%add3A_404, %and3A_4, %add3A_384], %get3A_401 : memref<8x8x129xf32, #tpu.memory_space<vmem>>[vector<16xi32>, vector<16xi32>, vector<16xi32>], vector<16xf32>,
        %get3A_411 = arith.constant 2 : i32
        %get3A_412 = arith.index_cast %get3A_411 : i32 to index
        %get3A_413 = arith.index_cast %add3A_381 : i32 to index
        %get3A_414 = arith.constant 32 : index
        %get3A_415 = tpu.vector_load %arg6[%get3A_412, %get3A_413, %get3A_414] {strides = array<i32>} : memref<4x128x64xf32, #tpu.memory_space<vmem>>, vector<16xf32>,
        %add3A_416 = arith.constant 4 : i32
        %add3A_417 = vector.broadcast %add3A_416 : i32 to vector<16xi32>
        %add3A_418 = arith.addi %add3A_417, %convert_element_type3A : vector<16xi32>
        %scatter3A_419 = arith.constant 2 : i32
        %scatter3A_420 = arith.constant 0 : i32
        %scatter3A_421 = arith.constant 0 : i32
        %scatter3A_422 = arith.constant 0 : i32
        %scatter3A_423 = tpu.memref_slice %arg7[%scatter3A_419, %scatter3A_420, %scatter3A_421, %scatter3A_422] : memref<4x8x8x129xf32, #tpu.memory_space<vmem>> -> memref<1x8x8x129xf32, #tpu.memory_space<vmem>>
        %scatter3A_424 = tpu.memref_squeeze %scatter3A_423 : memref<1x8x8x129xf32, #tpu.memory_space<vmem>> -> memref<8x8x129xf32, #tpu.memory_space<vmem>>
        tpu.vector_store_idx %scatter3A_424[%add3A_418, %and3A_4, %add3A_384], %get3A_415 : memref<8x8x129xf32, #tpu.memory_space<vmem>>[vector<16xi32>, vector<16xi32>, vector<16xi32>], vector<16xf32>,
        %get3A_425 = arith.constant 2 : i32
        %get3A_426 = arith.index_cast %get3A_425 : i32 to index
        %get3A_427 = arith.index_cast %add3A_381 : i32 to index
        %get3A_428 = arith.constant 48 : index
        %get3A_429 = tpu.vector_load %arg6[%get3A_426, %get3A_427, %get3A_428] {strides = array<i32>} : memref<4x128x64xf32, #tpu.memory_space<vmem>>, vector<16xf32>,
        %add3A_430 = arith.constant 6 : i32
        %add3A_431 = vector.broadcast %add3A_430 : i32 to vector<16xi32>
        %add3A_432 = arith.addi %add3A_431, %convert_element_type3A : vector<16xi32>
        %scatter3A_433 = arith.constant 2 : i32
        %scatter3A_434 = arith.constant 0 : i32
        %scatter3A_435 = arith.constant 0 : i32
        %scatter3A_436 = arith.constant 0 : i32
        %scatter3A_437 = tpu.memref_slice %arg7[%scatter3A_433, %scatter3A_434, %scatter3A_435, %scatter3A_436] : memref<4x8x8x129xf32, #tpu.memory_space<vmem>> -> memref<1x8x8x129xf32, #tpu.memory_space<vmem>>
        %scatter3A_438 = tpu.memref_squeeze %scatter3A_437 : memref<1x8x8x129xf32, #tpu.memory_space<vmem>> -> memref<8x8x129xf32, #tpu.memory_space<vmem>>
        tpu.vector_store_idx %scatter3A_438[%add3A_432, %and3A_4, %add3A_384], %get3A_429 : memref<8x8x129xf32, #tpu.memory_space<vmem>>[vector<16xi32>, vector<16xi32>, vector<16xi32>], vector<16xf32>,
      }
      %scan3A_290 = arith.constant 128 : i32
      %dma_start3A_291 = arith.constant 2 : i32
      %dma_start3A_292 = arith.constant 0 : i32
      %dma_start3A_293 = arith.constant 0 : i32
      %dma_start3A_294 = arith.constant 0 : i32
      %dma_start3A_295 = tpu.memref_slice %arg7[%dma_start3A_291, %dma_start3A_292, %dma_start3A_293, %dma_start3A_294] : memref<4x8x8x129xf32, #tpu.memory_space<vmem>> -> memref<1x8x8x128xf32, #tpu.memory_space<vmem>>
      %dma_start3A_296 = tpu.memref_squeeze %dma_start3A_295 : memref<1x8x8x128xf32, #tpu.memory_space<vmem>> -> memref<8x8x128xf32, #tpu.memory_space<vmem>>
      %dma_start3A_297 = arith.constant 0 : i32
      %dma_start3A_298 = arith.constant 0 : i32
      %dma_start3A_299 = arith.constant 0 : i32
      %dma_start3A_300 = tpu.memref_slice %arg4[%add3A_264, %dma_start3A_297, %add3A, %dma_start3A_298, %dma_start3A_299] : memref<200x8x32x8x128xf32, #tpu.memory_space<hbm>> -> memref<1x8x1x8x128xf32, #tpu.memory_space<hbm>>
      %dma_start3A_301 = tpu.memref_squeeze %dma_start3A_300 : memref<1x8x1x8x128xf32, #tpu.memory_space<hbm>> -> memref<8x8x128xf32, #tpu.memory_space<hbm>>
      %dma_start3A_302 = arith.constant 0 : i32
      %dma_start3A_303 = arith.constant 0 : i32
      %dma_start3A_304 = arith.constant 0 : i32
      %dma_start3A_305 = tpu.memref_slice %arg4[%add3A_264, %dma_start3A_302, %add3A, %dma_start3A_303, %dma_start3A_304] : memref<200x8x32x8x128xf32, #tpu.memory_space<hbm>> -> memref<1x8x1x8x128xf32, #tpu.memory_space<hbm>>
      %dma_start3A_306 = tpu.memref_squeeze %dma_start3A_305 : memref<1x8x1x8x128xf32, #tpu.memory_space<hbm>> -> memref<8x8x128xf32, #tpu.memory_space<hbm>>
      %dma_start3A_307 = arith.constant 0 : i32
      %dma_start3A_308 = arith.constant 0 : i32
      %dma_start3A_309 = arith.constant 0 : i32
      %dma_start3A_310 = tpu.memref_slice %arg7[%dma_start3A_291, %dma_start3A_307, %dma_start3A_308, %dma_start3A_309] : memref<4x8x8x129xf32, #tpu.memory_space<vmem>> -> memref<1x8x8x128xf32, #tpu.memory_space<vmem>>
      %dma_start3A_311 = tpu.memref_squeeze %dma_start3A_310 : memref<1x8x8x128xf32, #tpu.memory_space<vmem>> -> memref<8x8x128xf32, #tpu.memory_space<vmem>>
      tpu.enqueue_dma source(%dma_start3A_311 : memref<8x8x128xf32, #tpu.memory_space<vmem>>) target(%dma_start3A_306 : memref<8x8x128xf32, #tpu.memory_space<hbm>>) target_semaphore(%arg14 : memref<!tpu.dma_semaphore, #tpu.memory_space<semaphore_mem>>)
      %add3A_312 = arith.constant 4 : i32
      %add3A_313 = arith.addi %add3A_264, %add3A_312 : i32
      %lt3A_314 = arith.constant 200 : i32
      %lt3A_315 = arith.cmpi slt, %add3A_313, %lt3A_314 : i32
      %convert_element_type3A_316 = arith.extui %lt3A_315 : i1 to i32
      %cond3A_317 = arith.constant 0 : i32
      %cond3A_318 = arith.cmpi ne, %convert_element_type3A_316, %cond3A_317 : i32
      scf.if %cond3A_318 {
        %add3A_377 = arith.constant 4 : i32
        %add3A_378 = arith.addi %add3A_264, %add3A_377 : i32
        %shift_right_arithmetic3A_379 = arith.constant 3 : i32
        %shift_right_arithmetic3A_380 = arith.shrsi %add3A_378, %shift_right_arithmetic3A_379 : i32
        %and3A_381 = arith.constant 7 : i32
        %and3A_382 = arith.andi %add3A_378, %and3A_381 : i32
        %mul3A_383 = arith.constant 128 : i32
        %mul3A_384 = arith.muli %and3A_382, %mul3A_383 : i32
        %dma_start3A_385 = arith.constant 2 : i32
        %dma_start3A_386 = arith.constant 0 : i32
        %dma_start3A_387 = arith.constant 0 : i32
        %dma_start3A_388 = tpu.memref_slice %arg6[%dma_start3A_385, %dma_start3A_386, %dma_start3A_387] : memref<4x128x64xf32, #tpu.memory_space<vmem>> -> memref<1x128x64xf32, #tpu.memory_space<vmem>>
        %dma_start3A_389 = tpu.memref_squeeze %dma_start3A_388 : memref<1x128x64xf32, #tpu.memory_space<vmem>> -> memref<128x64xf32, #tpu.memory_space<vmem>>
        %dma_start3A_390 = tpu.memref_slice %arg5[%shift_right_arithmetic3A_380, %mul3A_384] : memref<25x1024xi32, #tpu.memory_space<vmem>> -> memref<1x128xi32, #tpu.memory_space<vmem>>
        %dma_start3A_391 = tpu.memref_squeeze %dma_start3A_390 : memref<1x128xi32, #tpu.memory_space<vmem>> -> memref<128xi32, #tpu.memory_space<vmem>>
        %dma_start3A_392 = arith.constant 0 : i32
        %dma_start3A_393 = arith.constant 0 : i32
        %dma_start3A_394 = tpu.memref_slice %arg3[%dma_start3A_392, %dma_start3A_393] : memref<1000000x64xf32, #tpu.memory_space<hbm>> -> memref<1000000x64xf32, #tpu.memory_space<hbm>>
        tpu.enqueue_indirect_dma source(%dma_start3A_394 : memref<1000000x64xf32, #tpu.memory_space<hbm>>) target(%dma_start3A_389 : memref<128x64xf32, #tpu.memory_space<vmem>>) offsets(%dma_start3A_391 : memref<128xi32, #tpu.memory_space<vmem>>) semaphore(%arg10 : memref<!tpu.dma_semaphore, #tpu.memory_space<semaphore_mem>>)
      } else {
      }
      %mul3A_319 = arith.constant 4 : i32
      %mul3A_320 = arith.muli %mul3A_319, %add3A_147 : i32
      %add3A_321 = arith.constant 3 : i32
      %add3A_322 = arith.addi %mul3A_320, %add3A_321 : i32
      %shift_right_arithmetic3A_323 = arith.constant 3 : i32
      %shift_right_arithmetic3A_324 = arith.shrsi %add3A_322, %shift_right_arithmetic3A_323 : i32
      %and3A_325 = arith.constant 7 : i32
      %and3A_326 = arith.andi %add3A_322, %and3A_325 : i32
      %mul3A_327 = arith.constant 128 : i32
      %mul3A_328 = arith.muli %and3A_326, %mul3A_327 : i32
      %dma_wait3A_329 = arith.constant 3 : i32
      %dma_wait3A_330 = arith.constant 0 : i32
      %dma_wait3A_331 = arith.constant 0 : i32
      %dma_wait3A_332 = tpu.memref_slice %arg6[%dma_wait3A_329, %dma_wait3A_330, %dma_wait3A_331] : memref<4x128x64xf32, #tpu.memory_space<vmem>> -> memref<1x128x64xf32, #tpu.memory_space<vmem>>
      %dma_wait3A_333 = tpu.memref_squeeze %dma_wait3A_332 : memref<1x128x64xf32, #tpu.memory_space<vmem>> -> memref<128x64xf32, #tpu.memory_space<vmem>>
      %dma_wait3A_334 = tpu.memref_slice %arg5[%shift_right_arithmetic3A_324, %mul3A_328] : memref<25x1024xi32, #tpu.memory_space<vmem>> -> memref<1x128xi32, #tpu.memory_space<vmem>>
      %dma_wait3A_335 = tpu.memref_squeeze %dma_wait3A_334 : memref<1x128xi32, #tpu.memory_space<vmem>> -> memref<128xi32, #tpu.memory_space<vmem>>
      %dma_wait3A_336 = arith.constant 0 : i32
      %dma_wait3A_337 = arith.constant 0 : i32
      %dma_wait3A_338 = tpu.memref_slice %arg3[%dma_wait3A_336, %dma_wait3A_337] : memref<1000000x64xf32, #tpu.memory_space<hbm>> -> memref<1000000x64xf32, #tpu.memory_space<hbm>>
      tpu.wait_indirect_dma semaphore(%arg11 : memref<!tpu.dma_semaphore, #tpu.memory_space<semaphore_mem>>) src(%dma_wait3A_338 : memref<1000000x64xf32, #tpu.memory_space<hbm>>) dst(%dma_wait3A_333 : memref<128x64xf32, #tpu.memory_space<vmem>>)
      %ge3A_339 = arith.constant 4 : i32
      %ge3A_340 = arith.cmpi sge, %add3A_322, %ge3A_339 : i32
      %convert_element_type3A_341 = arith.extui %ge3A_340 : i1 to i32
      %cond3A_342 = arith.constant 0 : i32
      %cond3A_343 = arith.cmpi ne, %convert_element_type3A_341, %cond3A_342 : i32
      scf.if %cond3A_343 {
        %sub3A = arith.constant 4 : i32
        %sub3A_377 = arith.subi %add3A_322, %sub3A : i32
        %dma_wait3A_378 = arith.constant 3 : i32
        %dma_wait3A_379 = arith.constant 0 : i32
        %dma_wait3A_380 = arith.constant 0 : i32
        %dma_wait3A_381 = arith.constant 0 : i32
        %dma_wait3A_382 = tpu.memref_slice %arg7[%dma_wait3A_378, %dma_wait3A_379, %dma_wait3A_380, %dma_wait3A_381] : memref<4x8x8x129xf32, #tpu.memory_space<vmem>> -> memref<1x8x8x128xf32, #tpu.memory_space<vmem>>
        %dma_wait3A_383 = tpu.memref_squeeze %dma_wait3A_382 : memref<1x8x8x128xf32, #tpu.memory_space<vmem>> -> memref<8x8x128xf32, #tpu.memory_space<vmem>>
        %dma_wait3A_384 = arith.constant 0 : i32
        %dma_wait3A_385 = arith.constant 0 : i32
        %dma_wait3A_386 = arith.constant 0 : i32
        %dma_wait3A_387 = tpu.memref_slice %arg4[%sub3A_377, %dma_wait3A_384, %add3A, %dma_wait3A_385, %dma_wait3A_386] : memref<200x8x32x8x128xf32, #tpu.memory_space<hbm>> -> memref<1x8x1x8x128xf32, #tpu.memory_space<hbm>>
        %dma_wait3A_388 = tpu.memref_squeeze %dma_wait3A_387 : memref<1x8x1x8x128xf32, #tpu.memory_space<hbm>> -> memref<8x8x128xf32, #tpu.memory_space<hbm>>
        %dma_wait3A_389 = arith.constant 0 : i32
        %dma_wait3A_390 = arith.constant 0 : i32
        %dma_wait3A_391 = arith.constant 0 : i32
        %dma_wait3A_392 = tpu.memref_slice %arg4[%sub3A_377, %dma_wait3A_389, %add3A, %dma_wait3A_390, %dma_wait3A_391] : memref<200x8x32x8x128xf32, #tpu.memory_space<hbm>> -> memref<1x8x1x8x128xf32, #tpu.memory_space<hbm>>
        %dma_wait3A_393 = tpu.memref_squeeze %dma_wait3A_392 : memref<1x8x1x8x128xf32, #tpu.memory_space<hbm>> -> memref<8x8x128xf32, #tpu.memory_space<hbm>>
        %dma_wait3A_394 = arith.constant 0 : i32
        %dma_wait3A_395 = arith.constant 0 : i32
        %dma_wait3A_396 = arith.constant 0 : i32
        %dma_wait3A_397 = tpu.memref_slice %arg7[%dma_wait3A_378, %dma_wait3A_394, %dma_wait3A_395, %dma_wait3A_396] : memref<4x8x8x129xf32, #tpu.memory_space<vmem>> -> memref<1x8x8x128xf32, #tpu.memory_space<vmem>>
        %dma_wait3A_398 = tpu.memref_squeeze %dma_wait3A_397 : memref<1x8x8x128xf32, #tpu.memory_space<vmem>> -> memref<8x8x128xf32, #tpu.memory_space<vmem>>
        tpu.wait_dma2 semaphore(%arg15 : memref<!tpu.dma_semaphore, #tpu.memory_space<semaphore_mem>>) src(%dma_wait3A_398 : memref<8x8x128xf32, #tpu.memory_space<vmem>>) dst(%dma_wait3A_393 : memref<8x8x128xf32, #tpu.memory_space<hbm>>)
      } else {
      }
      %scan3A_344 = arith.constant 0 : i32
      %scan3A_345 = arith.constant 128 : i32
      %scan3A_346 = arith.addi %scan3A_344, %scan3A_345 : i32
      %scan3A_347 = arith.constant 1 : i32
      scf.for %scan3A_377 = %scan3A_344 to %scan3A_346 step %scan3A_347  : i32 {
        %mul3A_378 = arith.constant 1 : i32
        %mul3A_379 = arith.muli %scan3A_377, %mul3A_378 : i32
        %add3A_380 = arith.constant 0 : i32
        %add3A_381 = arith.addi %add3A_380, %mul3A_379 : i32
        %broadcast_in_dim3A = arith.constant 0 : i32
        %broadcast_in_dim3A_382 = vector.broadcast %broadcast_in_dim3A : i32 to vector<16xi32>
        %add3A_383 = vector.broadcast %add3A_381 : i32 to vector<16xi32>
        %add3A_384 = arith.addi %broadcast_in_dim3A_382, %add3A_383 : vector<16xi32>
        %get3A = arith.constant 3 : i32
        %get3A_385 = arith.index_cast %get3A : i32 to index
        %get3A_386 = arith.index_cast %add3A_381 : i32 to index
        %get3A_387 = arith.constant 0 : index
        %get3A_388 = tpu.vector_load %arg6[%get3A_385, %get3A_386, %get3A_387] {strides = array<i32>} : memref<4x128x64xf32, #tpu.memory_space<vmem>>, vector<16xf32>,
        %add3A_389 = arith.constant 0 : i32
        %add3A_390 = vector.broadcast %add3A_389 : i32 to vector<16xi32>
        %add3A_391 = arith.addi %add3A_390, %convert_element_type3A : vector<16xi32>
        %scatter3A = arith.constant 3 : i32
        %scatter3A_392 = arith.constant 0 : i32
        %scatter3A_393 = arith.constant 0 : i32
        %scatter3A_394 = arith.constant 0 : i32
        %scatter3A_395 = tpu.memref_slice %arg7[%scatter3A, %scatter3A_392, %scatter3A_393, %scatter3A_394] : memref<4x8x8x129xf32, #tpu.memory_space<vmem>> -> memref<1x8x8x129xf32, #tpu.memory_space<vmem>>
        %scatter3A_396 = tpu.memref_squeeze %scatter3A_395 : memref<1x8x8x129xf32, #tpu.memory_space<vmem>> -> memref<8x8x129xf32, #tpu.memory_space<vmem>>
        tpu.vector_store_idx %scatter3A_396[%add3A_391, %and3A_4, %add3A_384], %get3A_388 : memref<8x8x129xf32, #tpu.memory_space<vmem>>[vector<16xi32>, vector<16xi32>, vector<16xi32>], vector<16xf32>,
        %get3A_397 = arith.constant 3 : i32
        %get3A_398 = arith.index_cast %get3A_397 : i32 to index
        %get3A_399 = arith.index_cast %add3A_381 : i32 to index
        %get3A_400 = arith.constant 16 : index
        %get3A_401 = tpu.vector_load %arg6[%get3A_398, %get3A_399, %get3A_400] {strides = array<i32>} : memref<4x128x64xf32, #tpu.memory_space<vmem>>, vector<16xf32>,
        %add3A_402 = arith.constant 2 : i32
        %add3A_403 = vector.broadcast %add3A_402 : i32 to vector<16xi32>
        %add3A_404 = arith.addi %add3A_403, %convert_element_type3A : vector<16xi32>
        %scatter3A_405 = arith.constant 3 : i32
        %scatter3A_406 = arith.constant 0 : i32
        %scatter3A_407 = arith.constant 0 : i32
        %scatter3A_408 = arith.constant 0 : i32
        %scatter3A_409 = tpu.memref_slice %arg7[%scatter3A_405, %scatter3A_406, %scatter3A_407, %scatter3A_408] : memref<4x8x8x129xf32, #tpu.memory_space<vmem>> -> memref<1x8x8x129xf32, #tpu.memory_space<vmem>>
        %scatter3A_410 = tpu.memref_squeeze %scatter3A_409 : memref<1x8x8x129xf32, #tpu.memory_space<vmem>> -> memref<8x8x129xf32, #tpu.memory_space<vmem>>
        tpu.vector_store_idx %scatter3A_410[%add3A_404, %and3A_4, %add3A_384], %get3A_401 : memref<8x8x129xf32, #tpu.memory_space<vmem>>[vector<16xi32>, vector<16xi32>, vector<16xi32>], vector<16xf32>,
        %get3A_411 = arith.constant 3 : i32
        %get3A_412 = arith.index_cast %get3A_411 : i32 to index
        %get3A_413 = arith.index_cast %add3A_381 : i32 to index
        %get3A_414 = arith.constant 32 : index
        %get3A_415 = tpu.vector_load %arg6[%get3A_412, %get3A_413, %get3A_414] {strides = array<i32>} : memref<4x128x64xf32, #tpu.memory_space<vmem>>, vector<16xf32>,
        %add3A_416 = arith.constant 4 : i32
        %add3A_417 = vector.broadcast %add3A_416 : i32 to vector<16xi32>
        %add3A_418 = arith.addi %add3A_417, %convert_element_type3A : vector<16xi32>
        %scatter3A_419 = arith.constant 3 : i32
        %scatter3A_420 = arith.constant 0 : i32
        %scatter3A_421 = arith.constant 0 : i32
        %scatter3A_422 = arith.constant 0 : i32
        %scatter3A_423 = tpu.memref_slice %arg7[%scatter3A_419, %scatter3A_420, %scatter3A_421, %scatter3A_422] : memref<4x8x8x129xf32, #tpu.memory_space<vmem>> -> memref<1x8x8x129xf32, #tpu.memory_space<vmem>>
        %scatter3A_424 = tpu.memref_squeeze %scatter3A_423 : memref<1x8x8x129xf32, #tpu.memory_space<vmem>> -> memref<8x8x129xf32, #tpu.memory_space<vmem>>
        tpu.vector_store_idx %scatter3A_424[%add3A_418, %and3A_4, %add3A_384], %get3A_415 : memref<8x8x129xf32, #tpu.memory_space<vmem>>[vector<16xi32>, vector<16xi32>, vector<16xi32>], vector<16xf32>,
        %get3A_425 = arith.constant 3 : i32
        %get3A_426 = arith.index_cast %get3A_425 : i32 to index
        %get3A_427 = arith.index_cast %add3A_381 : i32 to index
        %get3A_428 = arith.constant 48 : index
        %get3A_429 = tpu.vector_load %arg6[%get3A_426, %get3A_427, %get3A_428] {strides = array<i32>} : memref<4x128x64xf32, #tpu.memory_space<vmem>>, vector<16xf32>,
        %add3A_430 = arith.constant 6 : i32
        %add3A_431 = vector.broadcast %add3A_430 : i32 to vector<16xi32>
        %add3A_432 = arith.addi %add3A_431, %convert_element_type3A : vector<16xi32>
        %scatter3A_433 = arith.constant 3 : i32
        %scatter3A_434 = arith.constant 0 : i32
        %scatter3A_435 = arith.constant 0 : i32
        %scatter3A_436 = arith.constant 0 : i32
        %scatter3A_437 = tpu.memref_slice %arg7[%scatter3A_433, %scatter3A_434, %scatter3A_435, %scatter3A_436] : memref<4x8x8x129xf32, #tpu.memory_space<vmem>> -> memref<1x8x8x129xf32, #tpu.memory_space<vmem>>
        %scatter3A_438 = tpu.memref_squeeze %scatter3A_437 : memref<1x8x8x129xf32, #tpu.memory_space<vmem>> -> memref<8x8x129xf32, #tpu.memory_space<vmem>>
        tpu.vector_store_idx %scatter3A_438[%add3A_432, %and3A_4, %add3A_384], %get3A_429 : memref<8x8x129xf32, #tpu.memory_space<vmem>>[vector<16xi32>, vector<16xi32>, vector<16xi32>], vector<16xf32>,
      }
      %scan3A_348 = arith.constant 128 : i32
      %dma_start3A_349 = arith.constant 3 : i32
      %dma_start3A_350 = arith.constant 0 : i32
      %dma_start3A_351 = arith.constant 0 : i32
      %dma_start3A_352 = arith.constant 0 : i32
      %dma_start3A_353 = tpu.memref_slice %arg7[%dma_start3A_349, %dma_start3A_350, %dma_start3A_351, %dma_start3A_352] : memref<4x8x8x129xf32, #tpu.memory_space<vmem>> -> memref<1x8x8x128xf32, #tpu.memory_space<vmem>>
      %dma_start3A_354 = tpu.memref_squeeze %dma_start3A_353 : memref<1x8x8x128xf32, #tpu.memory_space<vmem>> -> memref<8x8x128xf32, #tpu.memory_space<vmem>>
      %dma_start3A_355 = arith.constant 0 : i32
      %dma_start3A_356 = arith.constant 0 : i32
      %dma_start3A_357 = arith.constant 0 : i32
      %dma_start3A_358 = tpu.memref_slice %arg4[%add3A_322, %dma_start3A_355, %add3A, %dma_start3A_356, %dma_start3A_357] : memref<200x8x32x8x128xf32, #tpu.memory_space<hbm>> -> memref<1x8x1x8x128xf32, #tpu.memory_space<hbm>>
      %dma_start3A_359 = tpu.memref_squeeze %dma_start3A_358 : memref<1x8x1x8x128xf32, #tpu.memory_space<hbm>> -> memref<8x8x128xf32, #tpu.memory_space<hbm>>
      %dma_start3A_360 = arith.constant 0 : i32
      %dma_start3A_361 = arith.constant 0 : i32
      %dma_start3A_362 = arith.constant 0 : i32
      %dma_start3A_363 = tpu.memref_slice %arg4[%add3A_322, %dma_start3A_360, %add3A, %dma_start3A_361, %dma_start3A_362] : memref<200x8x32x8x128xf32, #tpu.memory_space<hbm>> -> memref<1x8x1x8x128xf32, #tpu.memory_space<hbm>>
      %dma_start3A_364 = tpu.memref_squeeze %dma_start3A_363 : memref<1x8x1x8x128xf32, #tpu.memory_space<hbm>> -> memref<8x8x128xf32, #tpu.memory_space<hbm>>
      %dma_start3A_365 = arith.constant 0 : i32
      %dma_start3A_366 = arith.constant 0 : i32
      %dma_start3A_367 = arith.constant 0 : i32
      %dma_start3A_368 = tpu.memref_slice %arg7[%dma_start3A_349, %dma_start3A_365, %dma_start3A_366, %dma_start3A_367] : memref<4x8x8x129xf32, #tpu.memory_space<vmem>> -> memref<1x8x8x128xf32, #tpu.memory_space<vmem>>
      %dma_start3A_369 = tpu.memref_squeeze %dma_start3A_368 : memref<1x8x8x128xf32, #tpu.memory_space<vmem>> -> memref<8x8x128xf32, #tpu.memory_space<vmem>>
      tpu.enqueue_dma source(%dma_start3A_369 : memref<8x8x128xf32, #tpu.memory_space<vmem>>) target(%dma_start3A_364 : memref<8x8x128xf32, #tpu.memory_space<hbm>>) target_semaphore(%arg15 : memref<!tpu.dma_semaphore, #tpu.memory_space<semaphore_mem>>)
      %add3A_370 = arith.constant 4 : i32
      %add3A_371 = arith.addi %add3A_322, %add3A_370 : i32
      %lt3A_372 = arith.constant 200 : i32
      %lt3A_373 = arith.cmpi slt, %add3A_371, %lt3A_372 : i32
      %convert_element_type3A_374 = arith.extui %lt3A_373 : i1 to i32
      %cond3A_375 = arith.constant 0 : i32
      %cond3A_376 = arith.cmpi ne, %convert_element_type3A_374, %cond3A_375 : i32
      scf.if %cond3A_376 {
        %add3A_377 = arith.constant 4 : i32
        %add3A_378 = arith.addi %add3A_322, %add3A_377 : i32
        %shift_right_arithmetic3A_379 = arith.constant 3 : i32
        %shift_right_arithmetic3A_380 = arith.shrsi %add3A_378, %shift_right_arithmetic3A_379 : i32
        %and3A_381 = arith.constant 7 : i32
        %and3A_382 = arith.andi %add3A_378, %and3A_381 : i32
        %mul3A_383 = arith.constant 128 : i32
        %mul3A_384 = arith.muli %and3A_382, %mul3A_383 : i32
        %dma_start3A_385 = arith.constant 3 : i32
        %dma_start3A_386 = arith.constant 0 : i32
        %dma_start3A_387 = arith.constant 0 : i32
        %dma_start3A_388 = tpu.memref_slice %arg6[%dma_start3A_385, %dma_start3A_386, %dma_start3A_387] : memref<4x128x64xf32, #tpu.memory_space<vmem>> -> memref<1x128x64xf32, #tpu.memory_space<vmem>>
        %dma_start3A_389 = tpu.memref_squeeze %dma_start3A_388 : memref<1x128x64xf32, #tpu.memory_space<vmem>> -> memref<128x64xf32, #tpu.memory_space<vmem>>
        %dma_start3A_390 = tpu.memref_slice %arg5[%shift_right_arithmetic3A_380, %mul3A_384] : memref<25x1024xi32, #tpu.memory_space<vmem>> -> memref<1x128xi32, #tpu.memory_space<vmem>>
        %dma_start3A_391 = tpu.memref_squeeze %dma_start3A_390 : memref<1x128xi32, #tpu.memory_space<vmem>> -> memref<128xi32, #tpu.memory_space<vmem>>
        %dma_start3A_392 = arith.constant 0 : i32
        %dma_start3A_393 = arith.constant 0 : i32
        %dma_start3A_394 = tpu.memref_slice %arg3[%dma_start3A_392, %dma_start3A_393] : memref<1000000x64xf32, #tpu.memory_space<hbm>> -> memref<1000000x64xf32, #tpu.memory_space<hbm>>
        tpu.enqueue_indirect_dma source(%dma_start3A_394 : memref<1000000x64xf32, #tpu.memory_space<hbm>>) target(%dma_start3A_389 : memref<128x64xf32, #tpu.memory_space<vmem>>) offsets(%dma_start3A_391 : memref<128xi32, #tpu.memory_space<vmem>>) semaphore(%arg11 : memref<!tpu.dma_semaphore, #tpu.memory_space<semaphore_mem>>)
      } else {
      }
    }
    %scan3A_55 = arith.constant 50 : i32
    %dma_wait3A = arith.constant 0 : i32
    %dma_wait3A_56 = arith.constant 196 : i32
    %dma_wait3A_57 = arith.constant 0 : i32
    %dma_wait3A_58 = arith.constant 0 : i32
    %dma_wait3A_59 = arith.constant 0 : i32
    %dma_wait3A_60 = tpu.memref_slice %arg7[%dma_wait3A, %dma_wait3A_57, %dma_wait3A_58, %dma_wait3A_59] : memref<4x8x8x129xf32, #tpu.memory_space<vmem>> -> memref<1x8x8x128xf32, #tpu.memory_space<vmem>>
    %dma_wait3A_61 = tpu.memref_squeeze %dma_wait3A_60 : memref<1x8x8x128xf32, #tpu.memory_space<vmem>> -> memref<8x8x128xf32, #tpu.memory_space<vmem>>
    %dma_wait3A_62 = arith.constant 0 : i32
    %dma_wait3A_63 = arith.constant 0 : i32
    %dma_wait3A_64 = arith.constant 0 : i32
    %dma_wait3A_65 = tpu.memref_slice %arg4[%dma_wait3A_56, %dma_wait3A_62, %add3A, %dma_wait3A_63, %dma_wait3A_64] : memref<200x8x32x8x128xf32, #tpu.memory_space<hbm>> -> memref<1x8x1x8x128xf32, #tpu.memory_space<hbm>>
    %dma_wait3A_66 = tpu.memref_squeeze %dma_wait3A_65 : memref<1x8x1x8x128xf32, #tpu.memory_space<hbm>> -> memref<8x8x128xf32, #tpu.memory_space<hbm>>
    %dma_wait3A_67 = arith.constant 0 : i32
    %dma_wait3A_68 = arith.constant 0 : i32
    %dma_wait3A_69 = arith.constant 0 : i32
    %dma_wait3A_70 = tpu.memref_slice %arg4[%dma_wait3A_56, %dma_wait3A_67, %add3A, %dma_wait3A_68, %dma_wait3A_69] : memref<200x8x32x8x128xf32, #tpu.memory_space<hbm>> -> memref<1x8x1x8x128xf32, #tpu.memory_space<hbm>>
    %dma_wait3A_71 = tpu.memref_squeeze %dma_wait3A_70 : memref<1x8x1x8x128xf32, #tpu.memory_space<hbm>> -> memref<8x8x128xf32, #tpu.memory_space<hbm>>
    %dma_wait3A_72 = arith.constant 0 : i32
    %dma_wait3A_73 = arith.constant 0 : i32
    %dma_wait3A_74 = arith.constant 0 : i32
    %dma_wait3A_75 = tpu.memref_slice %arg7[%dma_wait3A, %dma_wait3A_72, %dma_wait3A_73, %dma_wait3A_74] : memref<4x8x8x129xf32, #tpu.memory_space<vmem>> -> memref<1x8x8x128xf32, #tpu.memory_space<vmem>>
    %dma_wait3A_76 = tpu.memref_squeeze %dma_wait3A_75 : memref<1x8x8x128xf32, #tpu.memory_space<vmem>> -> memref<8x8x128xf32, #tpu.memory_space<vmem>>
    tpu.wait_dma2 semaphore(%arg12 : memref<!tpu.dma_semaphore, #tpu.memory_space<semaphore_mem>>) src(%dma_wait3A_76 : memref<8x8x128xf32, #tpu.memory_space<vmem>>) dst(%dma_wait3A_71 : memref<8x8x128xf32, #tpu.memory_space<hbm>>)
    %dma_wait3A_77 = arith.constant 1 : i32
    %dma_wait3A_78 = arith.constant 197 : i32
    %dma_wait3A_79 = arith.constant 0 : i32
    %dma_wait3A_80 = arith.constant 0 : i32
    %dma_wait3A_81 = arith.constant 0 : i32
    %dma_wait3A_82 = tpu.memref_slice %arg7[%dma_wait3A_77, %dma_wait3A_79, %dma_wait3A_80, %dma_wait3A_81] : memref<4x8x8x129xf32, #tpu.memory_space<vmem>> -> memref<1x8x8x128xf32, #tpu.memory_space<vmem>>
    %dma_wait3A_83 = tpu.memref_squeeze %dma_wait3A_82 : memref<1x8x8x128xf32, #tpu.memory_space<vmem>> -> memref<8x8x128xf32, #tpu.memory_space<vmem>>
    %dma_wait3A_84 = arith.constant 0 : i32
    %dma_wait3A_85 = arith.constant 0 : i32
    %dma_wait3A_86 = arith.constant 0 : i32
    %dma_wait3A_87 = tpu.memref_slice %arg4[%dma_wait3A_78, %dma_wait3A_84, %add3A, %dma_wait3A_85, %dma_wait3A_86] : memref<200x8x32x8x128xf32, #tpu.memory_space<hbm>> -> memref<1x8x1x8x128xf32, #tpu.memory_space<hbm>>
    %dma_wait3A_88 = tpu.memref_squeeze %dma_wait3A_87 : memref<1x8x1x8x128xf32, #tpu.memory_space<hbm>> -> memref<8x8x128xf32, #tpu.memory_space<hbm>>
    %dma_wait3A_89 = arith.constant 0 : i32
    %dma_wait3A_90 = arith.constant 0 : i32
    %dma_wait3A_91 = arith.constant 0 : i32
    %dma_wait3A_92 = tpu.memref_slice %arg4[%dma_wait3A_78, %dma_wait3A_89, %add3A, %dma_wait3A_90, %dma_wait3A_91] : memref<200x8x32x8x128xf32, #tpu.memory_space<hbm>> -> memref<1x8x1x8x128xf32, #tpu.memory_space<hbm>>
    %dma_wait3A_93 = tpu.memref_squeeze %dma_wait3A_92 : memref<1x8x1x8x128xf32, #tpu.memory_space<hbm>> -> memref<8x8x128xf32, #tpu.memory_space<hbm>>
    %dma_wait3A_94 = arith.constant 0 : i32
    %dma_wait3A_95 = arith.constant 0 : i32
    %dma_wait3A_96 = arith.constant 0 : i32
    %dma_wait3A_97 = tpu.memref_slice %arg7[%dma_wait3A_77, %dma_wait3A_94, %dma_wait3A_95, %dma_wait3A_96] : memref<4x8x8x129xf32, #tpu.memory_space<vmem>> -> memref<1x8x8x128xf32, #tpu.memory_space<vmem>>
    %dma_wait3A_98 = tpu.memref_squeeze %dma_wait3A_97 : memref<1x8x8x128xf32, #tpu.memory_space<vmem>> -> memref<8x8x128xf32, #tpu.memory_space<vmem>>
    tpu.wait_dma2 semaphore(%arg13 : memref<!tpu.dma_semaphore, #tpu.memory_space<semaphore_mem>>) src(%dma_wait3A_98 : memref<8x8x128xf32, #tpu.memory_space<vmem>>) dst(%dma_wait3A_93 : memref<8x8x128xf32, #tpu.memory_space<hbm>>)
    %dma_wait3A_99 = arith.constant 2 : i32
    %dma_wait3A_100 = arith.constant 198 : i32
    %dma_wait3A_101 = arith.constant 0 : i32
    %dma_wait3A_102 = arith.constant 0 : i32
    %dma_wait3A_103 = arith.constant 0 : i32
    %dma_wait3A_104 = tpu.memref_slice %arg7[%dma_wait3A_99, %dma_wait3A_101, %dma_wait3A_102, %dma_wait3A_103] : memref<4x8x8x129xf32, #tpu.memory_space<vmem>> -> memref<1x8x8x128xf32, #tpu.memory_space<vmem>>
    %dma_wait3A_105 = tpu.memref_squeeze %dma_wait3A_104 : memref<1x8x8x128xf32, #tpu.memory_space<vmem>> -> memref<8x8x128xf32, #tpu.memory_space<vmem>>
    %dma_wait3A_106 = arith.constant 0 : i32
    %dma_wait3A_107 = arith.constant 0 : i32
    %dma_wait3A_108 = arith.constant 0 : i32
    %dma_wait3A_109 = tpu.memref_slice %arg4[%dma_wait3A_100, %dma_wait3A_106, %add3A, %dma_wait3A_107, %dma_wait3A_108] : memref<200x8x32x8x128xf32, #tpu.memory_space<hbm>> -> memref<1x8x1x8x128xf32, #tpu.memory_space<hbm>>
    %dma_wait3A_110 = tpu.memref_squeeze %dma_wait3A_109 : memref<1x8x1x8x128xf32, #tpu.memory_space<hbm>> -> memref<8x8x128xf32, #tpu.memory_space<hbm>>
    %dma_wait3A_111 = arith.constant 0 : i32
    %dma_wait3A_112 = arith.constant 0 : i32
    %dma_wait3A_113 = arith.constant 0 : i32
    %dma_wait3A_114 = tpu.memref_slice %arg4[%dma_wait3A_100, %dma_wait3A_111, %add3A, %dma_wait3A_112, %dma_wait3A_113] : memref<200x8x32x8x128xf32, #tpu.memory_space<hbm>> -> memref<1x8x1x8x128xf32, #tpu.memory_space<hbm>>
    %dma_wait3A_115 = tpu.memref_squeeze %dma_wait3A_114 : memref<1x8x1x8x128xf32, #tpu.memory_space<hbm>> -> memref<8x8x128xf32, #tpu.memory_space<hbm>>
    %dma_wait3A_116 = arith.constant 0 : i32
    %dma_wait3A_117 = arith.constant 0 : i32
    %dma_wait3A_118 = arith.constant 0 : i32
    %dma_wait3A_119 = tpu.memref_slice %arg7[%dma_wait3A_99, %dma_wait3A_116, %dma_wait3A_117, %dma_wait3A_118] : memref<4x8x8x129xf32, #tpu.memory_space<vmem>> -> memref<1x8x8x128xf32, #tpu.memory_space<vmem>>
    %dma_wait3A_120 = tpu.memref_squeeze %dma_wait3A_119 : memref<1x8x8x128xf32, #tpu.memory_space<vmem>> -> memref<8x8x128xf32, #tpu.memory_space<vmem>>
    tpu.wait_dma2 semaphore(%arg14 : memref<!tpu.dma_semaphore, #tpu.memory_space<semaphore_mem>>) src(%dma_wait3A_120 : memref<8x8x128xf32, #tpu.memory_space<vmem>>) dst(%dma_wait3A_115 : memref<8x8x128xf32, #tpu.memory_space<hbm>>)
    %dma_wait3A_121 = arith.constant 3 : i32
    %dma_wait3A_122 = arith.constant 199 : i32
    %dma_wait3A_123 = arith.constant 0 : i32
    %dma_wait3A_124 = arith.constant 0 : i32
    %dma_wait3A_125 = arith.constant 0 : i32
    %dma_wait3A_126 = tpu.memref_slice %arg7[%dma_wait3A_121, %dma_wait3A_123, %dma_wait3A_124, %dma_wait3A_125] : memref<4x8x8x129xf32, #tpu.memory_space<vmem>> -> memref<1x8x8x128xf32, #tpu.memory_space<vmem>>
    %dma_wait3A_127 = tpu.memref_squeeze %dma_wait3A_126 : memref<1x8x8x128xf32, #tpu.memory_space<vmem>> -> memref<8x8x128xf32, #tpu.memory_space<vmem>>
    %dma_wait3A_128 = arith.constant 0 : i32
    %dma_wait3A_129 = arith.constant 0 : i32
    %dma_wait3A_130 = arith.constant 0 : i32
    %dma_wait3A_131 = tpu.memref_slice %arg4[%dma_wait3A_122, %dma_wait3A_128, %add3A, %dma_wait3A_129, %dma_wait3A_130] : memref<200x8x32x8x128xf32, #tpu.memory_space<hbm>> -> memref<1x8x1x8x128xf32, #tpu.memory_space<hbm>>
    %dma_wait3A_132 = tpu.memref_squeeze %dma_wait3A_131 : memref<1x8x1x8x128xf32, #tpu.memory_space<hbm>> -> memref<8x8x128xf32, #tpu.memory_space<hbm>>
    %dma_wait3A_133 = arith.constant 0 : i32
    %dma_wait3A_134 = arith.constant 0 : i32
    %dma_wait3A_135 = arith.constant 0 : i32
    %dma_wait3A_136 = tpu.memref_slice %arg4[%dma_wait3A_122, %dma_wait3A_133, %add3A, %dma_wait3A_134, %dma_wait3A_135] : memref<200x8x32x8x128xf32, #tpu.memory_space<hbm>> -> memref<1x8x1x8x128xf32, #tpu.memory_space<hbm>>
    %dma_wait3A_137 = tpu.memref_squeeze %dma_wait3A_136 : memref<1x8x1x8x128xf32, #tpu.memory_space<hbm>> -> memref<8x8x128xf32, #tpu.memory_space<hbm>>
    %dma_wait3A_138 = arith.constant 0 : i32
    %dma_wait3A_139 = arith.constant 0 : i32
    %dma_wait3A_140 = arith.constant 0 : i32
    %dma_wait3A_141 = tpu.memref_slice %arg7[%dma_wait3A_121, %dma_wait3A_138, %dma_wait3A_139, %dma_wait3A_140] : memref<4x8x8x129xf32, #tpu.memory_space<vmem>> -> memref<1x8x8x128xf32, #tpu.memory_space<vmem>>
    %dma_wait3A_142 = tpu.memref_squeeze %dma_wait3A_141 : memref<1x8x8x128xf32, #tpu.memory_space<vmem>> -> memref<8x8x128xf32, #tpu.memory_space<vmem>>
    tpu.wait_dma2 semaphore(%arg15 : memref<!tpu.dma_semaphore, #tpu.memory_space<semaphore_mem>>) src(%dma_wait3A_142 : memref<8x8x128xf32, #tpu.memory_space<vmem>>) dst(%dma_wait3A_137 : memref<8x8x128xf32, #tpu.memory_space<hbm>>)
    return
  }
}

</mosaic_0001>

<sc_bundles>
// kernel: kernel.3.cloned.1.call-start
scs
__scs_entry_jumppad:
0x0: {  	(pc) =	sbr.rel $0x88, $3  }
0x1: {  	(tag) =	ssettag $0x0;
	lr =	simm.s32 $0x1  }
0x2: {  	[smem:$0x3F9F] =	sst lr;
	_ =	strace $0xD0000000  }
0x3: {  	_ = 	snop  }
0x4: {  	_ = 	snop  }
0x5: {  	_ = 	snop  }
0x6: {  	_ = 	snop  }
0x7: {  	_ = 	snop  }
__scs_overlays_trampoline_lowered:
0x8: {  	[smem:$0x3FAE] =	sst s0  }
0x9: {  	[smem:$0x3FAF] =	sst s1  }
0xa: {  	[smem:$0x3FB0] =	sst s2  }
0xb: {  	[smem:$0x3FB1] =	sst s3  }
0xc: {  	[smem:$0x3FB2] =	sst s4  }
0xd: {  	[smem:$0x3FB3] =	sst s5  }
0xe: {  	[smem:$0x3FB4] =	sst s6  }
0xf: {  	[smem:$0x3FB5] =	sst s7  }
0x10: {  	[smem:$0x3FB6] =	sst s8  }
0x11: {  	[smem:$0x3FB7] =	sst s9;
	s0 =	simm.s32 @!p0 $0x0  }
0x12: {  	s1 =	sld [smem:$0x3F9D];
	s0 =	simm.s32 @p0 $0x1  }
0x13: {  	[smem:$0x3FB8] =	sst s0;
	s0 =	simm.s32 @!p1 $0x0  }
0x14: {  	s2 =	sld [smem:$0x3F9C];
	s0 =	simm.s32 @p1 $0x1  }
0x15: {  	[smem:$0x3FB9] =	sst s0;
	s0 =	simm.s32 @!p2 $0x0  }
0x16: {  	s3 =	sld [smem:$0x3FDB];
	s0 =	simm.s32 @p2 $0x1  }
0x17: {  	s4 =	simm.s32 $0x1BF5;
	[smem:$0x3FBB] =	sst s0  }
0x18: {  	s0 =	sld [smem:$0x3F9E];
	_ =	swait.ge [sflag:s4], $0x0  }
0x19: {  	s7 =	sld [smem:$0x3F9F]  }
0x1a: {  	s8 =	sadd.s32 $0xFFFFE003, lr  }
0x1b: {  	s9 =	sadd.s32 $0xFFFFFEF7, lr;
	s5 =	simm.s32 $0xFFFFFFFF;
	p2 =	slt.u32 s8, $0xFFFFF086  }
0x1c: {  	p1 =	slt.u32 s9, $0xF7A;
	s5 =	simm.s32 @!p2 $0x0  }
0x1d: {  	s5 =	simm.s32 @p1 $0x1;
	p0 =	seq.s32 s7, s2  }
0x1e: {  	s7 =	smul.u32 @!p0 $0xF7A, s2;
	p2 =	seq.s32 @!p0 s5, $0x0  }
0x1f: {  	s9 =	smul.u32 $0xF7A, s1;
	s8 =	simm.s32 @!p0 $0x1BF5;
	p2 =	por !p2, p0  }
0x20: {  	[sflag:s8] =	ssyncset.s32 @!p0 $0xFFFFF086;
	s6 =	sadd.s32 @!p0 s3, s7;
	s7 =	simm.s32 @!p0 $0x108  }
0x21: {  	s3 =	sadd.s32 s3, s9;
	s6 =	sadd.s32 @!p0 $0x88, s6;
	s7 =	simm.s32 @p2 $0x1082  }
0x22: {  	[simem:s7], [sflag:s8] =	dma.local @!p0 [hbm:s6], $0xF7A  }
0x23: {  	s9 =	sor.u32 $0xD0000000, s2;
	s6 =	simm.s32 $0x108;
	_ =	swait.ge @!p0 [sflag:s8], $0x0  }
0x24: {  	s3 =	sadd.s32 $0x88, s3;
	s6 =	simm.s32 @!p1 $0x1082;
	[sflag:s4] =	ssyncset.s32 $0xFFFFF086  }
0x25: {  	[simem:s6], [sflag:s4] =	dma.local [hbm:s3], $0xF7A  }
0x26: {  	[smem:$0x3F9F] =	sst s1;
	(tag) =	ssettag s2;
	_ =	strace s9  }
0x27: {  	s1 =	sld [smem:$0x3FAF]  }
0x28: {  	s2 =	sld [smem:$0x3FB0]  }
0x29: {  	s4 =	sld [smem:$0x3FB2]  }
0x2a: {  	p0 =	seq.s32 s5, $0x0;
	s5 =	sld [smem:$0x3FB3]  }
0x2b: {  	s6 =	sld [smem:$0x3FB4]  }
0x2c: {  	s7 =	sld [smem:$0x3FB5]  }
0x2d: {  	s3 =	simm.s32 $0x108;
	s8 =	sld [smem:$0x3FB6]  }
0x2e: {  	s3 =	simm.s32 @!p0 $0x1082;
	s9 =	sld [smem:$0x3FB7]  }
0x2f: {  	lr =	sadd.s32 s0, s3;
	s0 =	sld [smem:$0x3FAE]  }
0x30: {  	s3 =	sld [smem:$0x3FB1]  }
0x31: {  	[smem:$0x3FBA] =	sst s10  }
0x32: {  	s10 =	sld [smem:$0x3FB8];
	_ =	sdelay $0x3  }
0x33: {  	p0 =	seq.s32 s10, $0x1;
	s10 =	sld [smem:$0x3FBA];
	_ =	sdelay $0x3  }
0x34: {  	[smem:$0x3FBA] =	sst s10  }
0x35: {  	s10 =	sld [smem:$0x3FB9];
	_ =	sdelay $0x3  }
0x36: {  	p1 =	seq.s32 s10, $0x1;
	s10 =	sld [smem:$0x3FBA];
	_ =	sdelay $0x3  }
0x37: {  	[smem:$0x3FBA] =	sst s10  }
0x38: {  	s10 =	sld [smem:$0x3FBB]  }
0x39: {  	_ = 	snop;
	(pc) =	sbr.ind lr, $3  }
0x3a: {  	_ = 	snop  }
0x3b: {  	_ = 	snop  }
0x3c: {  	p2 =	seq.s32 s10, $0x1;
	s10 =	sld [smem:$0x3FBA]  }
0x3d: {  	_ =	shalt  }
0x3e: {  	_ =	shalt  }
0x3f: {  	_ =	shalt  }
0x40: {  	_ =	shalt  }
0x41: {  	_ =	shalt  }
0x42: {  	_ =	shalt  }
0x43: {  	_ =	shalt  }
0x44: {  	_ =	shalt  }
0x45: {  	_ =	shalt  }
0x46: {  	_ =	shalt  }
0x47: {  	_ =	shalt  }
0x48: {  	_ =	shalt  }
0x49: {  	_ =	shalt  }
0x4a: {  	_ =	shalt  }
0x4b: {  	_ =	shalt  }
0x4c: {  	_ =	shalt  }
0x4d: {  	_ =	shalt  }
0x4e: {  	_ =	shalt  }
0x4f: {  	_ =	shalt  }
0x50: {  	_ =	shalt  }
0x51: {  	_ =	shalt  }
0x52: {  	_ =	shalt  }
0x53: {  	_ =	shalt  }
0x54: {  	_ =	shalt  }
0x55: {  	_ =	shalt  }
0x56: {  	_ =	shalt  }
0x57: {  	_ =	shalt  }
0x58: {  	_ =	shalt  }
0x59: {  	_ =	shalt  }
0x5a: {  	_ =	shalt  }
0x5b: {  	_ =	shalt  }
0x5c: {  	_ =	shalt  }
0x5d: {  	_ =	shalt  }
0x5e: {  	_ =	shalt  }
0x5f: {  	_ =	shalt  }
0x60: {  	_ =	shalt  }
0x61: {  	_ =	shalt  }
0x62: {  	_ =	shalt  }
0x63: {  	_ =	shalt  }
0x64: {  	_ =	shalt  }
0x65: {  	_ =	shalt  }
0x66: {  	_ =	shalt  }
0x67: {  	_ =	shalt  }
0x68: {  	_ =	shalt  }
0x69: {  	_ =	shalt  }
0x6a: {  	_ =	shalt  }
0x6b: {  	_ =	shalt  }
0x6c: {  	_ =	shalt  }
0x6d: {  	_ =	shalt  }
0x6e: {  	_ =	shalt  }
0x6f: {  	_ =	shalt  }
0x70: {  	_ =	shalt  }
0x71: {  	_ =	shalt  }
0x72: {  	_ =	shalt  }
0x73: {  	_ =	shalt  }
0x74: {  	_ =	shalt  }
0x75: {  	_ =	shalt  }
0x76: {  	_ =	shalt  }
0x77: {  	_ =	shalt  }
0x78: {  	_ =	shalt  }
0x79: {  	_ =	shalt  }
0x7a: {  	_ =	shalt  }
0x7b: {  	_ =	shalt  }
0x7c: {  	_ =	shalt  }
0x7d: {  	_ =	shalt  }
0x7e: {  	_ =	shalt  }
0x7f: {  	_ =	shalt  }
0x80: {  	_ =	shalt  }
0x81: {  	_ =	shalt  }
0x82: {  	_ =	shalt  }
0x83: {  	_ =	shalt  }
0x84: {  	_ =	shalt  }
0x85: {  	_ =	shalt  }
0x86: {  	_ =	shalt  }
0x87: {  	_ =	shalt  }
.Lfunc_end0:
.L_simem_size_0:
called_computation_lowered:
.L_overlay_start_0:
0x88: {  	s2 =	sld [smem:$0x3FD9]  }
0x89: {  	s3 =	sld [smem:$0x3FFE];
	_ =	sdelay $0x1  }
0x8a: {  	s1 =	srdreg.scid  }
0x8b: {  	s0 =	sand.u32 $0x1, s1  }
0x8c: {  	s17 =	sshll.u32 s0, $0xA;
	s2 =	sadd.s32 s3, s2  }
0x8d: {  	s2 =	sadd.s32 s2, s17  }
0x8e: {  	[smem:$0x3FC6] =	sst s2  }
0x8f: {  	_ = 	snop  }
0x90: {  	s2 =	sld [smem:$0x3FC9]  }
0x91: {  	s18 =	sld [smem:$0x3FD0];
	(tm) =	ssettm $0x1  }
0x92: {  	s4 =	sld [smem:$0x3FFB];
	_ =	sdelay $0x3  }
0x93: {  	_ =	strace s4  }
0x94: {  	s4 =	sld [smem:$0x3FFC];
	_ =	sdelay $0x3  }
0x95: {  	_ =	strace s4  }
0x96: {  	s4 =	sld [smem:$0x3FFD];
	_ =	sdelay $0x3  }
0x97: {  	_ =	strace s4  }
0x98: {  	_ =	strace $0x8FFFFFFF  }
0x99: {  	s19 =	sld [smem:$0x3FDB];
	_ =	sdelay $0x1  }
0x9a: {  	s5 =	simm.s32 $_scs_section_size  }
0x9b: {  	s6 =	simm.s32 $_size__tile_overlayer_lowered;
	s7 =	simm.s32 $_tile_overlayer_lowered  }
0x9c: {  	s22 =	simm.s32 $0x1BFF;
	s21 =	sshll.u32 s7, $0x1;
	s4 =	sadd.s32 s5, s19  }
0x9d: {  	s8 =	simm.s32 $0x0;
	s20 =	sshll.u32 s6, $0x1;
	s6 =	sadd.s32 s21, s4  }
0x9e: {  	[timem:s8], [sflag:s22] =	dma.local [hbm:s6], s20  }
0x9f: {  	_ =	swait.ge [sflag:s22], s20  }
0xa0: {  	s5 =	ssub.s32 $0x0, s20;
	[sflag:s22] =	ssyncset.done $0x0  }
0xa1: {  	[sflag:s22] =	ssyncadd.s32 s5;
	_ =	sdelay $0x1  }
0xa2: {  	s23 =	simm.s32 $0x1B8B  }
0xa3: {  	_ =	swait.ge [sflag:s23], $0x1  }
0xa4: {  	[sflag:s23] =	ssyncset.done $0x0  }
0xa5: {  	s25 =	simm.s32 $0x1B8E;
	s24 =	sld [smem:$0x3FFE];
	[sflag:s23] =	ssyncadd.s32 $0xFFFFFFFF  }
0xa6: {  	s26 =	simm.s32 $execute0_lowered;
	[smem:$0x3FD2] =	sst s25  }
0xa7: {  	s6 =	sshll.u32 s26, $0x1;
	_ =	strace $0x80000046;
	[dreg:$0x1] =	wrdreg $0xFFFFFFFF  }
0xa8: {  	s28 =	simm.s32 $_size_execute0_lowered;
	s4 =	sadd.s32 s4, s6;
	[dreg:$0x0] =	wrdreg $0x0  }
0xa9: {  	s6 =	sshll.u32 s28, $0x1;
	[dreg:$0x2] =	wrdreg s4  }
0xaa: {  	[dreg:$0x3] =	wrdreg s6  }
0xab: {  	[dreg:$0x4] =	wrdreg $0xC0  }
0xac: {  	_ =	task [dreg:s8], $0x5FFFF  }
0xad: {  	[dreg:$0x1] =	wrdreg $0xFFFFFFFF  }
0xae: {  	[dreg:$0x0] =	wrdreg $0x60  }
0xaf: {  	[dreg:$0x2] =	wrdreg s2  }
0xb0: {  	[dreg:$0x3] =	wrdreg s24  }
0xb1: {  	[dreg:$0x4] =	wrdreg s18  }
0xb2: {  	[dreg:$0x5] =	wrdreg $0x9  }
0xb3: {  	_ =	task.clear_ibuf [dreg:s8], $0x6FFFF;
	_ =	strace $0x90000046  }
0xb4: {  	s29 =	simm.s32 $0x9;
	_ =	strace $0x80000048  }
0xb5: {  	_ =	swait.ge [sflag:s29], $0x1  }
0xb6: {  	[sflag:s29] =	ssyncadd.s32 $0xFFFFFFFF  }
0xb7: {  	_ =	strace $0x90000048  }
0xb8: {  	_ =	sfence  }
0xb9: {  	s30 =	sld [smem:$0x0];
	_ =	sdelay $0x2  }
0xba: {  	s31 =	sshll.u32 s1, $0xD;
	s1 =	sshrl.u32 s1, $0x2  }
0xbb: {  	s3 =	sand.u32 $0x4000, s31;
	s1 =	sadd.s32 s1, s30  }
0xbc: {  	s0 =	sor.u32 s3, s0;
	s1 =	sshll.u32 s1, $0x11  }
0xbd: {  	s0 =	sor.u32 s1, s0  }
0xbe: {  	s0 =	sadd.s32 $0x8F2B, s0  }
0xbf: {  	[sflag:s0] =	ssyncadd.remote.s32 $0x1  }
0xc0: {  	_ =	sfence.sel $0xFFFF  }
0xc1: {  	[dreg:$0x0] =	wrdreg $0xFFFFFFFF;
	(pc) =	sbr.abs _section_cstart, $3  }
0xc2: {  	[dreg:$0x1] =	wrdreg $0xFFFFFFFF  }
0xc3: {  	_ =	task.clear_ibuf [dreg:s8], $0x2FFFF;
	_ =	strace $0x9FFFFFFF  }
0xc4: {  	(tm) =	ssettm $0x7FFFFFFF  }
0xc5: {  	_ =	shalt  }
tec
execute0_lowered:
.L_overlay_start_1:
0x0: {  	(tag) =	ssettag $0x1  }
0x1: {  	s0 =	rddreg [dreg:$0x0]  }
0x2: {  	s1 =	rddreg [dreg:$0x1]  }
0x3: {  	s2 =	rddreg [dreg:$0x2]  }
0x4: {  	s3 =	srdreg.scid;
	s5 =	stileid.u32  }
0x5: {  	s14 =	simm.s32 $0x80;
	s16 =	simm.s32 $0x8400;
	s18 =	simm.s32 $0xA400  }
0x6: {  	s20 =	simm.s32 $0xC400;
	s21 =	simm.s32 $0x1;
	s22 =	simm.s32 $0xE400  }
0x7: {  	s23 =	simm.s32 $0x2;
	s28 =	simm.s32 $0x7;
	s29 =	simm.s32 $0x12800  }
0x8: {  	s30 =	simm.s32 $0x4;
	s31 =	simm.s32 $0x8;
	s4 =	sand.u32 $0x1, s3  }
0x9: {  	s3 =	simm.s32 $0x0;
	s5 =	sshll.u32 s5, $0xB;
	s9 =	sadd.s32 $0x18000, s2  }
0xa: {  	s6 =	sshll.u32 s4, $0xA;
	[smem:$0x7FF] =	sst s3;
	s7 =	ssub.s32 $0x2, s4  }
0xb: {  	s4 =	sor.u32 s6, s5;
	_ =	strace $0x80000047;
	s24 =	sshrl.u32 s7, $0x1  }
.Ltmp0:
0xc: {  	s5 =	sadd.s32 $0xF42800, s1;
	s6 =	simm.s32 $0x0;
	(pc) =	sbr.rel .LBB2_1-.Ltmp0, $4  }
0xd: {  	v0 =	vlaneseq.u32;
	s8 =	sshrl.u32 s4, $0x3;
	s25 =	ssub.s32 s7, s24;
	s7 =	sadd.s32 $0x8000, s2  }
0xe: {  	v0 =	vmul.u32 $0x88, v0;
	s24 =	simm.s32 $0x6;
	s0 =	sadd.s32 s0, s8;
	s8 =	sadd.s32 $0x10000, s2  }
0xf: {  	s26 =	smax.u32 s25, $0x1;
	s25 =	simm.s32 $0x10600;
	[dreg:$0x4] =	wrdreg s0  }
0x10: {  	v1 =	vadd.s32 $0x880, v0;
	v2 =	vadd.s32 $0x1100, v0;
	v3 =	vadd.s32 $0x1980, v0;
	[dreg:$0x5] =	wrdreg s26;
	s26 =	simm.s32 $0x3;
	s0 =	simm.s32 $0x14A00  }
.LBB2_32:
0x11: {  	s1 =	simm.s32 $0x5  }
0x12: {  	_ =	swait.ge [sflag:s1], $0x2000  }
0x13: {  	[sflag:s1] =	ssyncset.done $0x0  }
0x14: {  	[sflag:s1] =	ssyncadd.s32 $0xFFFFE000  }
0x15: {  	_ =	swait.ge [sflag:s24], $0x2000  }
0x16: {  	[sflag:s24] =	ssyncset.done $0x0  }
0x17: {  	[sflag:s24] =	ssyncadd.s32 $0xFFFFE000  }
0x18: {  	_ =	swait.ge [sflag:s28], $0x2000  }
0x19: {  	[sflag:s28] =	ssyncset.done $0x0  }
0x1a: {  	[sflag:s28] =	ssyncadd.s32 $0xFFFFE000  }
0x1b: {  	_ =	swait.ge [sflag:s31], $0x2000  }
0x1c: {  	s6 =	rddreg [dreg:$0x6]  }
0x1d: {  	s19 =	rddreg [dreg:$0x5];
	s6 =	sadd.s32 $0x1, s6  }
0x1e: {  	p0 =	sne.s32 s6, s19  }
.Ltmp1:
0x1f: {  	_ = 	snop;
	(pc) =	sbr.rel @!p0 .LBB2_33-.Ltmp1, $3  }
0x20: {  	_ =	sdelay $0x1  }
0x21: {  	[sflag:s31] =	ssyncset.done $0x0  }
0x22: {  	[sflag:s31] =	ssyncadd.s32 $0xFFFFE000  }
.LBB2_1:
0x23: {  	[dreg:$0x6] =	wrdreg s6  }
0x24: {  	s1 =	rddreg [dreg:$0x4]  }
0x25: {  	s12 =	simm.s32 $0x400;
	s10 =	simm.s32 $0x8000;
	s13 =	simm.s32 $0x9  }
0x26: {  	[tilespmem:s3], [sflag:$0x9] =	stream.strided.gather [hbm4b:s1+s12], $0x6400, s10, s12, $0x38;
	[tilespmem:$0x16C00] =	vst v63  }
0x27: {  	_ =	swait.ge [sflag:s13], $0x6400  }
0x28: {  	[sflag:s13] =	ssyncset.done $0x0  }
0x29: {  	s15 =	simm.s32 $0x6400;
	[sflag:s13] =	ssyncadd.s32 $0xFFFF9C00  }
0x2a: {  	[tilespmem:s15], [sflag:$0x1] =	stream.indirect.gather [hbm4b:s5+s14], $0x40, s3, s14, $0xb8;
	[tilespmem:$0x16C00] =	vst v63  }
0x2b: {  	_ = 	snop  }
0x2c: {  	[tilespmem:s16], [sflag:$0x2] =	stream.indirect.gather [hbm4b:s5+s14], $0x40, s14, s14, $0xb8;
	[tilespmem:$0x16C00] =	vst v63  }
0x2d: {  	s17 =	simm.s32 $0x100  }
0x2e: {  	[tilespmem:s18], [sflag:$0x3] =	stream.indirect.gather [hbm4b:s5+s14], $0x40, s17, s14, $0xb8;
	[tilespmem:$0x16C00] =	vst v63  }
0x2f: {  	s19 =	simm.s32 $0x180;
	s12 =	simm.s32 $0x0  }
0x30: {  	[tilespmem:s20], [sflag:$0x4] =	stream.indirect.gather [hbm4b:s5+s14], $0x40, s19, s14, $0xb8;
	[tilespmem:$0x16C00] =	vst v63  }
.LBB2_2:
0x31: {  	_ =	swait.ge [sflag:s21], $0x2000  }
0x32: {  	p0 =	seq.s32 s12, $0x0;
	[sflag:s21] =	ssyncset.done $0x0  }
0x33: {  	s1 =	simm.s32 @!p0 $0x5;
	[sflag:s21] =	ssyncadd.s32 $0xFFFFE000  }
0x34: {  	s6 =	simm.s32 $0x0;
	_ =	swait.ge @!p0 [sflag:s1], $0x2000  }
0x35: {  	v4 =	vmov s6;
	[sflag:s1] =	ssyncset.done @!p0 $0x0  }
0x36: {  	s6 =	simm.s32 $0x6420;
	v5 =	vand.u32 $0x7F, v4;
	[sflag:s1] =	ssyncadd.s32 @!p0 $0xFFFFE000  }
0x37: {  	v6 =	vadd.s32 v0, v5;
	v4 =	vld [tilespmem:s6+$0xFFFFFFE0];
	_ =	sdelay $0x4  }
0x38: {  	[tilespmem:v6+s22+$0x0] =	vst.idx.msk $0xffff, v4  }
0x39: {  	v6 =	vadd.s32 v1, v5;
	v4 =	vld [tilespmem:s6+$0xFFFFFFF0];
	_ =	sdelay $0x4  }
0x3a: {  	[tilespmem:v6+s22+$0x0] =	vst.idx.msk $0xffff, v4  }
0x3b: {  	v6 =	vadd.s32 v2, v5;
	v4 =	vld [tilespmem:s6+$0x0];
	_ =	sdelay $0x4  }
0x3c: {  	[tilespmem:v6+s22+$0x0] =	vst.idx.msk $0xffff, v4  }
0x3d: {  	v5 =	vadd.s32 v3, v5;
	v4 =	vld [tilespmem:s6+$0x10];
	_ =	sdelay $0x2  }
0x3e: {  	s19 =	simm.s32 $0x1  }
0x3f: {  	s17 =	sshll.u32 s12, $0x9;
	s10 =	simm.s32 $0x2;
	v6 =	vmov s19  }
.LBB2_3:
0x40: {  	p1 =	sne.s32 s10, $0x7F;
	v6 =	vand.u32 $0x7F, v6;
	[tilespmem:v5+s22+$0x0] =	vst.idx.msk $0xffff, v4;
	s6 =	sadd.s32 $0x40, s6  }
0x41: {  	v4 =	vld [tilespmem:s6+$0xFFFFFFE0];
	v5 =	vadd.s32 v0, v6;
	_ =	sdelay $0x4  }
0x42: {  	[tilespmem:v5+s22+$0x0] =	vst.idx.msk $0xffff, v4  }
0x43: {  	v5 =	vadd.s32 v1, v6;
	v4 =	vld [tilespmem:s6+$0xFFFFFFF0];
	_ =	sdelay $0x4  }
0x44: {  	[tilespmem:v5+s22+$0x0] =	vst.idx.msk $0xffff, v4  }
0x45: {  	v5 =	vadd.s32 v2, v6;
	v4 =	vld [tilespmem:s6+$0x0];
	_ =	sdelay $0x4  }
0x46: {  	[tilespmem:v5+s22+$0x0] =	vst.idx.msk $0xffff, v4  }
.Ltmp2:
0x47: {  	v5 =	vadd.s32 v3, v6;
	v4 =	vld [tilespmem:s6+$0x10];
	(pc) =	sbr.rel @p1 .LBB2_3-.Ltmp2, $2  }
0x48: {  	_ =	sdelay $0x2  }
0x49: {  	v6 =	vmov s10;
	s10 =	sadd.s32 $0x1, s10  }
0x4a: {  	_ =	sdelay $0x3  }
0x4b: {  	v6 =	vand.u32 $0x7F, v6;
	[tilespmem:v5+s22+$0x0] =	vst.idx.msk $0xffff, v4;
	s1 =	sadd.s32 $0x40, s6  }
0x4c: {  	v4 =	vld [tilespmem:s1+$0xFFFFFFE0];
	v5 =	vadd.s32 v0, v6;
	_ =	sdelay $0x4  }
0x4d: {  	[tilespmem:v5+s22+$0x0] =	vst.idx.msk $0xffff, v4  }
0x4e: {  	v5 =	vadd.s32 v1, v6;
	v4 =	vld [tilespmem:s1+$0xFFFFFFF0];
	_ =	sdelay $0x4  }
0x4f: {  	[tilespmem:v5+s22+$0x0] =	vst.idx.msk $0xffff, v4  }
0x50: {  	v5 =	vadd.s32 v2, v6;
	v4 =	vld [tilespmem:s1+$0x0];
	_ =	sdelay $0x4  }
0x51: {  	[tilespmem:v5+s22+$0x0] =	vst.idx.msk $0xffff, v4  }
0x52: {  	v5 =	vadd.s32 v3, v6;
	v4 =	vld [tilespmem:s1+$0x10];
	_ =	sdelay $0x1  }
0x53: {  	s13 =	sshll.u32 s12, $0x14  }
0x54: {  	s1 =	sor.u32 s4, s13  }
0x55: {  	s19 =	sshrl.u32 s1, $0x3  }
0x56: {  	s15 =	simm.s32 $0xE400;
	s10 =	sadd.s32 s2, s19;
	[tilespmem:v5+s22+$0x0] =	vst.idx.msk $0xffff, v4  }
0x57: {  	[hbm4b:s10+s3] =	stream.linear.scatter [tilespmem:s15], [sflag:$0x5], $0x80, $0x38;
	[tilespmem:$0x16C00] =	vst v63  }
0x58: {  	s6 =	simm.s32 $0xE488;
	s11 =	sadd.s32 $0x10, s10  }
0x59: {  	[hbm4b:s11+s3] =	stream.linear.scatter [tilespmem:s6], [sflag:$0x5], $0x80, $0x38;
	[tilespmem:$0x16C00] =	vst v63  }
0x5a: {  	s13 =	simm.s32 $0xE510;
	s15 =	sadd.s32 $0x20, s10  }
0x5b: {  	[hbm4b:s15+s3] =	stream.linear.scatter [tilespmem:s13], [sflag:$0x5], $0x80, $0x38;
	[tilespmem:$0x16C00] =	vst v63  }
0x5c: {  	s6 =	simm.s32 $0xE598;
	s11 =	sadd.s32 $0x30, s10  }
0x5d: {  	[hbm4b:s11+s3] =	stream.linear.scatter [tilespmem:s6], [sflag:$0x5], $0x80, $0x38;
	[tilespmem:$0x16C00] =	vst v63  }
0x5e: {  	s13 =	simm.s32 $0xE620;
	s15 =	sadd.s32 $0x40, s10  }
0x5f: {  	[hbm4b:s15+s3] =	stream.linear.scatter [tilespmem:s13], [sflag:$0x5], $0x80, $0x38;
	[tilespmem:$0x16C00] =	vst v63  }
0x60: {  	s1 =	simm.s32 $0xE7B8;
	s6 =	simm.s32 $0xE6A8;
	s11 =	sadd.s32 $0x50, s10  }
0x61: {  	[hbm4b:s11+s3] =	stream.linear.scatter [tilespmem:s6], [sflag:$0x5], $0x80, $0x38;
	[tilespmem:$0x16C00] =	vst v63  }
0x62: {  	s13 =	simm.s32 $0xE730;
	s15 =	sadd.s32 $0x60, s10;
	s6 =	simm.s32 $0x440  }
0x63: {  	[hbm4b:s15+s3] =	stream.linear.scatter [tilespmem:s13], [sflag:$0x5], $0x80, $0x38;
	[tilespmem:$0x16C00] =	vst v63  }
0x64: {  	s11 =	sadd.s32 $0x70, s10;
	s10 =	sadd.s32 $0x1000, s10;
	s13 =	simm.s32 $0x2200  }
.LBB2_5:
0x65: {  	[hbm4b:s11+s3] =	stream.linear.scatter [tilespmem:s1], [sflag:$0x5], $0x80, $0x38;
	[tilespmem:$0x16C00] =	vst v63  }
0x66: {  	s1 =	smov.u32 s6;
	s6 =	smov.u32 s13  }
0x67: {  	s15 =	sadd.s32 $0x1100, s13;
	s6 =	sshra.s32 s6, $0x2;
	s11 =	sadd.s32 $0xE400, s1  }
0x68: {  	[hbm4b:s10+s3] =	stream.linear.scatter [tilespmem:s11], [sflag:$0x5], $0x80, $0x38;
	[tilespmem:$0x16C00] =	vst v63  }
0x69: {  	p1 =	sne.s32 s13, $0x7700;
	s13 =	sadd.s32 $0x10, s10;
	s11 =	sadd.s32 $0xE488, s1  }
0x6a: {  	[hbm4b:s13+s3] =	stream.linear.scatter [tilespmem:s11], [sflag:$0x5], $0x80, $0x38;
	[tilespmem:$0x16C00] =	vst v63  }
0x6b: {  	s11 =	sadd.s32 $0xE510, s1;
	s13 =	sadd.s32 $0x20, s10  }
0x6c: {  	[hbm4b:s13+s3] =	stream.linear.scatter [tilespmem:s11], [sflag:$0x5], $0x80, $0x38;
	[tilespmem:$0x16C00] =	vst v63  }
0x6d: {  	s11 =	sadd.s32 $0xE598, s1;
	s13 =	sadd.s32 $0x30, s10  }
0x6e: {  	[hbm4b:s13+s3] =	stream.linear.scatter [tilespmem:s11], [sflag:$0x5], $0x80, $0x38;
	[tilespmem:$0x16C00] =	vst v63  }
0x6f: {  	s11 =	sadd.s32 $0xE620, s1;
	s13 =	sadd.s32 $0x40, s10  }
0x70: {  	[hbm4b:s13+s3] =	stream.linear.scatter [tilespmem:s11], [sflag:$0x5], $0x80, $0x38;
	[tilespmem:$0x16C00] =	vst v63  }
.Ltmp3:
0x71: {  	s11 =	sadd.s32 $0xE6A8, s1;
	s13 =	sadd.s32 $0x50, s10;
	(pc) =	sbr.rel @p1 .LBB2_5-.Ltmp3, $4  }
0x72: {  	[hbm4b:s13+s3] =	stream.linear.scatter [tilespmem:s11], [sflag:$0x5], $0x80, $0x38;
	[tilespmem:$0x16C00] =	vst v63  }
0x73: {  	s11 =	sadd.s32 $0xE730, s1;
	s13 =	sadd.s32 $0x60, s10;
	s1 =	sadd.s32 $0xE7B8, s1  }
0x74: {  	[hbm4b:s13+s3] =	stream.linear.scatter [tilespmem:s11], [sflag:$0x5], $0x80, $0x38;
	[tilespmem:$0x16C00] =	vst v63  }
0x75: {  	s11 =	sadd.s32 $0x70, s10;
	s10 =	sadd.s32 $0x1000, s10;
	s13 =	smov.u32 s15  }
0x76: {  	[hbm4b:s11+s3] =	stream.linear.scatter [tilespmem:s1], [sflag:$0x5], $0x80, $0x38;
	[tilespmem:$0x16C00] =	vst v63  }
0x77: {  	s11 =	sadd.s32 $0xE400, s6  }
0x78: {  	[hbm4b:s10+s3] =	stream.linear.scatter [tilespmem:s11], [sflag:$0x5], $0x80, $0x38;
	[tilespmem:$0x16C00] =	vst v63  }
0x79: {  	s13 =	sadd.s32 $0xE488, s6;
	s15 =	sadd.s32 $0x10, s10  }
0x7a: {  	[hbm4b:s15+s3] =	stream.linear.scatter [tilespmem:s13], [sflag:$0x5], $0x80, $0x38;
	[tilespmem:$0x16C00] =	vst v63  }
0x7b: {  	s13 =	sadd.s32 $0xE510, s6;
	s15 =	sadd.s32 $0x20, s10  }
0x7c: {  	[hbm4b:s15+s3] =	stream.linear.scatter [tilespmem:s13], [sflag:$0x5], $0x80, $0x38;
	[tilespmem:$0x16C00] =	vst v63  }
0x7d: {  	s13 =	sadd.s32 $0xE598, s6;
	s15 =	sadd.s32 $0x30, s10  }
0x7e: {  	[hbm4b:s15+s3] =	stream.linear.scatter [tilespmem:s13], [sflag:$0x5], $0x80, $0x38;
	[tilespmem:$0x16C00] =	vst v63  }
0x7f: {  	s13 =	sadd.s32 $0xE620, s6;
	s15 =	sadd.s32 $0x40, s10  }
0x80: {  	[hbm4b:s15+s3] =	stream.linear.scatter [tilespmem:s13], [sflag:$0x5], $0x80, $0x38;
	[tilespmem:$0x16C00] =	vst v63  }
0x81: {  	p1 =	sne.s32 s12, $0x31;
	s13 =	sadd.s32 $0xE6A8, s6;
	s15 =	sadd.s32 $0x50, s10  }
0x82: {  	[hbm4b:s15+s3] =	stream.linear.scatter [tilespmem:s13], [sflag:$0x5], $0x80, $0x38;
	[tilespmem:$0x16C00] =	vst v63  }
.Ltmp4:
0x83: {  	_ = 	snop;
	(pc) =	sbr.rel @p1 .LBB2_8-.Ltmp4, $4  }
0x84: {  	s13 =	sadd.s32 $0xE730, s6;
	s15 =	sadd.s32 $0x60, s10  }
0x85: {  	[hbm4b:s15+s3] =	stream.linear.scatter [tilespmem:s13], [sflag:$0x5], $0x80, $0x38;
	[tilespmem:$0x16C00] =	vst v63  }
0x86: {  	s13 =	sadd.s32 $0xE7B8, s6;
	s15 =	sadd.s32 $0x70, s10  }
0x87: {  	[hbm4b:s15+s3] =	stream.linear.scatter [tilespmem:s13], [sflag:$0x5], $0x80, $0x38;
	[tilespmem:$0x16C00] =	vst v63  }
.Ltmp5:
0x88: {  	(pc) =	sbr.rel .LBB2_9-.Ltmp5, $4  }
0x89: {  	_ = 	snop  }
0x8a: {  	_ =	swait.ge [sflag:s23], $0x2000  }
0x8b: {  	[sflag:s23] =	ssyncset.done $0x0  }
0x8c: {  	[sflag:s23] =	ssyncadd.s32 $0xFFFFE000  }
.LBB2_8:
0x8d: {  	s1 =	sadd.s32 $0x200, s17  }
.Ltmp6:
0x8e: {  	s6 =	simm.s32 $0x6400;
	s1 =	sand.u32 $0xFE00, s1;
	(pc) =	sbr.rel @p0 .LBB2_10-.Ltmp6, $4  }
0x8f: {  	[tilespmem:s6], [sflag:$0x1] =	stream.indirect.gather [hbm4b:s5+s14], $0x40, s1, s14, $0xb8;
	[tilespmem:$0x16C00] =	vst v63  }
0x90: {  	_ =	swait.ge [sflag:s23], $0x2000  }
0x91: {  	[sflag:s23] =	ssyncset.done $0x0  }
0x92: {  	[sflag:s23] =	ssyncadd.s32 $0xFFFFE000  }
.LBB2_9:
0x93: {  	_ =	swait.ge [sflag:s24], $0x2000  }
0x94: {  	[sflag:s24] =	ssyncset.done $0x0  }
0x95: {  	[sflag:s24] =	ssyncadd.s32 $0xFFFFE000  }
.LBB2_10:
0x96: {  	s1 =	simm.s32 $0x0  }
0x97: {  	v4 =	vmov s1  }
0x98: {  	s6 =	simm.s32 $0x8430;
	v5 =	vand.u32 $0x7F, v4  }
0x99: {  	v4 =	vld [tilespmem:s6+$0xFFFFFFD0];
	v6 =	vadd.s32 v0, v5;
	_ =	sdelay $0x4  }
0x9a: {  	[tilespmem:v6+s25+$0x0] =	vst.idx.msk $0xffff, v4  }
0x9b: {  	v6 =	vadd.s32 v1, v5;
	v4 =	vld [tilespmem:s6+$0xFFFFFFE0];
	_ =	sdelay $0x4  }
0x9c: {  	[tilespmem:v6+s25+$0x0] =	vst.idx.msk $0xffff, v4  }
0x9d: {  	v6 =	vadd.s32 v2, v5;
	v4 =	vld [tilespmem:s6+$0xFFFFFFF0];
	_ =	sdelay $0x4  }
0x9e: {  	[tilespmem:v6+s25+$0x0] =	vst.idx.msk $0xffff, v4  }
0x9f: {  	v5 =	vadd.s32 v3, v5;
	v4 =	vld [tilespmem:s6+$0x0];
	_ =	sdelay $0x2  }
0xa0: {  	s15 =	simm.s32 $0x1  }
0xa1: {  	s10 =	simm.s32 $0x2;
	v6 =	vmov s15  }
.LBB2_11:
0xa2: {  	p2 =	sne.s32 s10, $0x7F;
	v6 =	vand.u32 $0x7F, v6;
	[tilespmem:v5+s25+$0x0] =	vst.idx.msk $0xffff, v4;
	s6 =	sadd.s32 $0x40, s6  }
0xa3: {  	v4 =	vld [tilespmem:s6+$0xFFFFFFD0];
	v5 =	vadd.s32 v0, v6;
	_ =	sdelay $0x4  }
0xa4: {  	[tilespmem:v5+s25+$0x0] =	vst.idx.msk $0xffff, v4  }
0xa5: {  	v5 =	vadd.s32 v1, v6;
	v4 =	vld [tilespmem:s6+$0xFFFFFFE0];
	_ =	sdelay $0x4  }
0xa6: {  	[tilespmem:v5+s25+$0x0] =	vst.idx.msk $0xffff, v4  }
0xa7: {  	v5 =	vadd.s32 v2, v6;
	v4 =	vld [tilespmem:s6+$0xFFFFFFF0];
	_ =	sdelay $0x4  }
0xa8: {  	[tilespmem:v5+s25+$0x0] =	vst.idx.msk $0xffff, v4  }
.Ltmp7:
0xa9: {  	v5 =	vadd.s32 v3, v6;
	v4 =	vld [tilespmem:s6+$0x0];
	(pc) =	sbr.rel @p2 .LBB2_11-.Ltmp7, $2  }
0xaa: {  	_ =	sdelay $0x2  }
0xab: {  	v6 =	vmov s10;
	s10 =	sadd.s32 $0x1, s10  }
0xac: {  	_ =	sdelay $0x3  }
0xad: {  	v6 =	vand.u32 $0x7F, v6;
	[tilespmem:v5+s25+$0x0] =	vst.idx.msk $0xffff, v4;
	s1 =	sadd.s32 $0x40, s6  }
0xae: {  	v4 =	vld [tilespmem:s1+$0xFFFFFFD0];
	v5 =	vadd.s32 v0, v6;
	_ =	sdelay $0x4  }
0xaf: {  	[tilespmem:v5+s25+$0x0] =	vst.idx.msk $0xffff, v4  }
0xb0: {  	v5 =	vadd.s32 v1, v6;
	v4 =	vld [tilespmem:s1+$0xFFFFFFE0];
	_ =	sdelay $0x4  }
0xb1: {  	[tilespmem:v5+s25+$0x0] =	vst.idx.msk $0xffff, v4  }
0xb2: {  	v5 =	vadd.s32 v2, v6;
	v4 =	vld [tilespmem:s1+$0xFFFFFFF0];
	_ =	sdelay $0x4  }
0xb3: {  	[tilespmem:v5+s25+$0x0] =	vst.idx.msk $0xffff, v4  }
0xb4: {  	v5 =	vadd.s32 v3, v6;
	v4 =	vld [tilespmem:s1+$0x0];
	_ =	sdelay $0x4  }
0xb5: {  	s10 =	sadd.s32 s19, s7;
	s15 =	simm.s32 $0x10600;
	[tilespmem:v5+s25+$0x0] =	vst.idx.msk $0xffff, v4  }
0xb6: {  	[hbm4b:s10+s3] =	stream.linear.scatter [tilespmem:s15], [sflag:$0x6], $0x80, $0x38;
	[tilespmem:$0x16C00] =	vst v63  }
0xb7: {  	s6 =	simm.s32 $0x10688;
	s11 =	sadd.s32 $0x10, s10  }
0xb8: {  	[hbm4b:s11+s3] =	stream.linear.scatter [tilespmem:s6], [sflag:$0x6], $0x80, $0x38;
	[tilespmem:$0x16C00] =	vst v63  }
0xb9: {  	s13 =	simm.s32 $0x10710;
	s15 =	sadd.s32 $0x20, s10  }
0xba: {  	[hbm4b:s15+s3] =	stream.linear.scatter [tilespmem:s13], [sflag:$0x6], $0x80, $0x38;
	[tilespmem:$0x16C00] =	vst v63  }
0xbb: {  	s6 =	simm.s32 $0x10798;
	s11 =	sadd.s32 $0x30, s10  }
0xbc: {  	[hbm4b:s11+s3] =	stream.linear.scatter [tilespmem:s6], [sflag:$0x6], $0x80, $0x38;
	[tilespmem:$0x16C00] =	vst v63  }
0xbd: {  	s13 =	simm.s32 $0x10820;
	s15 =	sadd.s32 $0x40, s10  }
0xbe: {  	[hbm4b:s15+s3] =	stream.linear.scatter [tilespmem:s13], [sflag:$0x6], $0x80, $0x38;
	[tilespmem:$0x16C00] =	vst v63  }
0xbf: {  	s1 =	simm.s32 $0x109B8;
	s6 =	simm.s32 $0x108A8;
	s11 =	sadd.s32 $0x50, s10  }
0xc0: {  	[hbm4b:s11+s3] =	stream.linear.scatter [tilespmem:s6], [sflag:$0x6], $0x80, $0x38;
	[tilespmem:$0x16C00] =	vst v63  }
0xc1: {  	s13 =	simm.s32 $0x10930;
	s15 =	sadd.s32 $0x60, s10;
	s6 =	simm.s32 $0x440  }
0xc2: {  	[hbm4b:s15+s3] =	stream.linear.scatter [tilespmem:s13], [sflag:$0x6], $0x80, $0x38;
	[tilespmem:$0x16C00] =	vst v63  }
0xc3: {  	s11 =	sadd.s32 $0x70, s10;
	s10 =	sadd.s32 $0x1000, s10;
	s13 =	simm.s32 $0x2200  }
.LBB2_13:
0xc4: {  	[hbm4b:s11+s3] =	stream.linear.scatter [tilespmem:s1], [sflag:$0x6], $0x80, $0x38;
	[tilespmem:$0x16C00] =	vst v63  }
0xc5: {  	s1 =	smov.u32 s6;
	s6 =	smov.u32 s13  }
0xc6: {  	s15 =	sadd.s32 $0x1100, s13;
	s6 =	sshra.s32 s6, $0x2;
	s11 =	sadd.s32 $0x10600, s1  }
0xc7: {  	[hbm4b:s10+s3] =	stream.linear.scatter [tilespmem:s11], [sflag:$0x6], $0x80, $0x38;
	[tilespmem:$0x16C00] =	vst v63  }
0xc8: {  	p2 =	sne.s32 s13, $0x7700;
	s13 =	sadd.s32 $0x10, s10;
	s11 =	sadd.s32 $0x10688, s1  }
0xc9: {  	[hbm4b:s13+s3] =	stream.linear.scatter [tilespmem:s11], [sflag:$0x6], $0x80, $0x38;
	[tilespmem:$0x16C00] =	vst v63  }
0xca: {  	s11 =	sadd.s32 $0x10710, s1;
	s13 =	sadd.s32 $0x20, s10  }
0xcb: {  	[hbm4b:s13+s3] =	stream.linear.scatter [tilespmem:s11], [sflag:$0x6], $0x80, $0x38;
	[tilespmem:$0x16C00] =	vst v63  }
0xcc: {  	s11 =	sadd.s32 $0x10798, s1;
	s13 =	sadd.s32 $0x30, s10  }
0xcd: {  	[hbm4b:s13+s3] =	stream.linear.scatter [tilespmem:s11], [sflag:$0x6], $0x80, $0x38;
	[tilespmem:$0x16C00] =	vst v63  }
0xce: {  	s11 =	sadd.s32 $0x10820, s1;
	s13 =	sadd.s32 $0x40, s10  }
0xcf: {  	[hbm4b:s13+s3] =	stream.linear.scatter [tilespmem:s11], [sflag:$0x6], $0x80, $0x38;
	[tilespmem:$0x16C00] =	vst v63  }
.Ltmp8:
0xd0: {  	s11 =	sadd.s32 $0x108A8, s1;
	s13 =	sadd.s32 $0x50, s10;
	(pc) =	sbr.rel @p2 .LBB2_13-.Ltmp8, $4  }
0xd1: {  	[hbm4b:s13+s3] =	stream.linear.scatter [tilespmem:s11], [sflag:$0x6], $0x80, $0x38;
	[tilespmem:$0x16C00] =	vst v63  }
0xd2: {  	s11 =	sadd.s32 $0x10930, s1;
	s13 =	sadd.s32 $0x60, s10;
	s1 =	sadd.s32 $0x109B8, s1  }
0xd3: {  	[hbm4b:s13+s3] =	stream.linear.scatter [tilespmem:s11], [sflag:$0x6], $0x80, $0x38;
	[tilespmem:$0x16C00] =	vst v63  }
0xd4: {  	s11 =	sadd.s32 $0x70, s10;
	s10 =	sadd.s32 $0x1000, s10;
	s13 =	smov.u32 s15  }
0xd5: {  	[hbm4b:s11+s3] =	stream.linear.scatter [tilespmem:s1], [sflag:$0x6], $0x80, $0x38;
	[tilespmem:$0x16C00] =	vst v63  }
0xd6: {  	s11 =	sadd.s32 $0x10600, s6  }
0xd7: {  	[hbm4b:s10+s3] =	stream.linear.scatter [tilespmem:s11], [sflag:$0x6], $0x80, $0x38;
	[tilespmem:$0x16C00] =	vst v63  }
0xd8: {  	s13 =	sadd.s32 $0x10688, s6;
	s15 =	sadd.s32 $0x10, s10  }
0xd9: {  	[hbm4b:s15+s3] =	stream.linear.scatter [tilespmem:s13], [sflag:$0x6], $0x80, $0x38;
	[tilespmem:$0x16C00] =	vst v63  }
0xda: {  	s13 =	sadd.s32 $0x10710, s6;
	s15 =	sadd.s32 $0x20, s10  }
0xdb: {  	[hbm4b:s15+s3] =	stream.linear.scatter [tilespmem:s13], [sflag:$0x6], $0x80, $0x38;
	[tilespmem:$0x16C00] =	vst v63  }
0xdc: {  	s13 =	sadd.s32 $0x10798, s6;
	s15 =	sadd.s32 $0x30, s10  }
0xdd: {  	[hbm4b:s15+s3] =	stream.linear.scatter [tilespmem:s13], [sflag:$0x6], $0x80, $0x38;
	[tilespmem:$0x16C00] =	vst v63  }
0xde: {  	s13 =	sadd.s32 $0x10820, s6;
	s15 =	sadd.s32 $0x40, s10  }
0xdf: {  	[hbm4b:s15+s3] =	stream.linear.scatter [tilespmem:s13], [sflag:$0x6], $0x80, $0x38;
	[tilespmem:$0x16C00] =	vst v63  }
0xe0: {  	s13 =	sadd.s32 $0x108A8, s6;
	s15 =	sadd.s32 $0x50, s10  }
0xe1: {  	[hbm4b:s15+s3] =	stream.linear.scatter [tilespmem:s13], [sflag:$0x6], $0x80, $0x38;
	[tilespmem:$0x16C00] =	vst v63  }
.Ltmp9:
0xe2: {  	_ = 	snop;
	(pc) =	sbr.rel @p1 .LBB2_16-.Ltmp9, $4  }
0xe3: {  	s13 =	sadd.s32 $0x10930, s6;
	s15 =	sadd.s32 $0x60, s10  }
0xe4: {  	[hbm4b:s15+s3] =	stream.linear.scatter [tilespmem:s13], [sflag:$0x6], $0x80, $0x38;
	[tilespmem:$0x16C00] =	vst v63  }
0xe5: {  	s13 =	sadd.s32 $0x109B8, s6;
	s15 =	sadd.s32 $0x70, s10  }
0xe6: {  	[hbm4b:s15+s3] =	stream.linear.scatter [tilespmem:s13], [sflag:$0x6], $0x80, $0x38;
	[tilespmem:$0x16C00] =	vst v63  }
.Ltmp10:
0xe7: {  	(pc) =	sbr.rel .LBB2_17-.Ltmp10, $4  }
0xe8: {  	_ = 	snop  }
0xe9: {  	_ =	swait.ge [sflag:s26], $0x2000  }
0xea: {  	[sflag:s26] =	ssyncset.done $0x0  }
0xeb: {  	[sflag:s26] =	ssyncadd.s32 $0xFFFFE000  }
.LBB2_16:
0xec: {  	s1 =	sadd.s32 $0x280, s17  }
.Ltmp11:
0xed: {  	s1 =	sand.u32 $0xFE80, s1;
	(pc) =	sbr.rel @p0 .LBB2_18-.Ltmp11, $4  }
0xee: {  	[tilespmem:s16], [sflag:$0x2] =	stream.indirect.gather [hbm4b:s5+s14], $0x40, s1, s14, $0xb8;
	[tilespmem:$0x16C00] =	vst v63  }
0xef: {  	_ =	swait.ge [sflag:s26], $0x2000  }
0xf0: {  	[sflag:s26] =	ssyncset.done $0x0  }
0xf1: {  	[sflag:s26] =	ssyncadd.s32 $0xFFFFE000  }
.LBB2_17:
0xf2: {  	_ =	swait.ge [sflag:s28], $0x2000  }
0xf3: {  	[sflag:s28] =	ssyncset.done $0x0  }
0xf4: {  	[sflag:s28] =	ssyncadd.s32 $0xFFFFE000  }
.LBB2_18:
0xf5: {  	s1 =	simm.s32 $0x0  }
0xf6: {  	v4 =	vmov s1  }
0xf7: {  	s6 =	simm.s32 $0xA400;
	v5 =	vand.u32 $0x7F, v4  }
0xf8: {  	v4 =	vld [tilespmem:s6+$0x0];
	v6 =	vadd.s32 v0, v5;
	_ =	sdelay $0x4  }
0xf9: {  	[tilespmem:v6+s29+$0x0] =	vst.idx.msk $0xffff, v4  }
0xfa: {  	v6 =	vadd.s32 v1, v5;
	v4 =	vld [tilespmem:s6+$0x10];
	_ =	sdelay $0x4  }
0xfb: {  	[tilespmem:v6+s29+$0x0] =	vst.idx.msk $0xffff, v4  }
0xfc: {  	v6 =	vadd.s32 v2, v5;
	v4 =	vld [tilespmem:s6+$0x20];
	_ =	sdelay $0x4  }
0xfd: {  	[tilespmem:v6+s29+$0x0] =	vst.idx.msk $0xffff, v4  }
0xfe: {  	v5 =	vadd.s32 v3, v5;
	v4 =	vld [tilespmem:s6+$0x30];
	_ =	sdelay $0x2  }
0xff: {  	s15 =	simm.s32 $0x1  }
0x100: {  	s10 =	simm.s32 $0x2;
	v6 =	vmov s15  }
.LBB2_19:
0x101: {  	p2 =	sne.s32 s10, $0x7F;
	v6 =	vand.u32 $0x7F, v6;
	[tilespmem:v5+s29+$0x0] =	vst.idx.msk $0xffff, v4;
	s6 =	sadd.s32 $0x40, s6  }
0x102: {  	v4 =	vld [tilespmem:s6+$0x0];
	v5 =	vadd.s32 v0, v6;
	_ =	sdelay $0x4  }
0x103: {  	[tilespmem:v5+s29+$0x0] =	vst.idx.msk $0xffff, v4  }
0x104: {  	v5 =	vadd.s32 v1, v6;
	v4 =	vld [tilespmem:s6+$0x10];
	_ =	sdelay $0x4  }
0x105: {  	[tilespmem:v5+s29+$0x0] =	vst.idx.msk $0xffff, v4  }
0x106: {  	v5 =	vadd.s32 v2, v6;
	v4 =	vld [tilespmem:s6+$0x20];
	_ =	sdelay $0x4  }
0x107: {  	[tilespmem:v5+s29+$0x0] =	vst.idx.msk $0xffff, v4  }
.Ltmp12:
0x108: {  	v5 =	vadd.s32 v3, v6;
	v4 =	vld [tilespmem:s6+$0x30];
	(pc) =	sbr.rel @p2 .LBB2_19-.Ltmp12, $2  }
0x109: {  	_ =	sdelay $0x2  }
0x10a: {  	v6 =	vmov s10;
	s10 =	sadd.s32 $0x1, s10  }
0x10b: {  	_ =	sdelay $0x3  }
0x10c: {  	v6 =	vand.u32 $0x7F, v6;
	[tilespmem:v5+s29+$0x0] =	vst.idx.msk $0xffff, v4;
	s1 =	sadd.s32 $0x40, s6  }
0x10d: {  	v4 =	vld [tilespmem:s1+$0x0];
	v5 =	vadd.s32 v0, v6;
	_ =	sdelay $0x4  }
0x10e: {  	[tilespmem:v5+s29+$0x0] =	vst.idx.msk $0xffff, v4  }
0x10f: {  	v5 =	vadd.s32 v1, v6;
	v4 =	vld [tilespmem:s1+$0x10];
	_ =	sdelay $0x4  }
0x110: {  	[tilespmem:v5+s29+$0x0] =	vst.idx.msk $0xffff, v4  }
0x111: {  	v5 =	vadd.s32 v2, v6;
	v4 =	vld [tilespmem:s1+$0x20];
	_ =	sdelay $0x4  }
0x112: {  	[tilespmem:v5+s29+$0x0] =	vst.idx.msk $0xffff, v4  }
0x113: {  	v5 =	vadd.s32 v3, v6;
	v4 =	vld [tilespmem:s1+$0x30];
	_ =	sdelay $0x4  }
0x114: {  	s10 =	sadd.s32 s19, s8;
	s15 =	simm.s32 $0x12800;
	[tilespmem:v5+s29+$0x0] =	vst.idx.msk $0xffff, v4  }
0x115: {  	[hbm4b:s10+s3] =	stream.linear.scatter [tilespmem:s15], [sflag:$0x7], $0x80, $0x38;
	[tilespmem:$0x16C00] =	vst v63  }
0x116: {  	s6 =	simm.s32 $0x12888;
	s11 =	sadd.s32 $0x10, s10  }
0x117: {  	[hbm4b:s11+s3] =	stream.linear.scatter [tilespmem:s6], [sflag:$0x7], $0x80, $0x38;
	[tilespmem:$0x16C00] =	vst v63  }
0x118: {  	s13 =	simm.s32 $0x12910;
	s15 =	sadd.s32 $0x20, s10  }
0x119: {  	[hbm4b:s15+s3] =	stream.linear.scatter [tilespmem:s13], [sflag:$0x7], $0x80, $0x38;
	[tilespmem:$0x16C00] =	vst v63  }
0x11a: {  	s6 =	simm.s32 $0x12998;
	s11 =	sadd.s32 $0x30, s10  }
0x11b: {  	[hbm4b:s11+s3] =	stream.linear.scatter [tilespmem:s6], [sflag:$0x7], $0x80, $0x38;
	[tilespmem:$0x16C00] =	vst v63  }
0x11c: {  	s13 =	simm.s32 $0x12A20;
	s15 =	sadd.s32 $0x40, s10  }
0x11d: {  	[hbm4b:s15+s3] =	stream.linear.scatter [tilespmem:s13], [sflag:$0x7], $0x80, $0x38;
	[tilespmem:$0x16C00] =	vst v63  }
0x11e: {  	s1 =	simm.s32 $0x12BB8;
	s6 =	simm.s32 $0x12AA8;
	s11 =	sadd.s32 $0x50, s10  }
0x11f: {  	[hbm4b:s11+s3] =	stream.linear.scatter [tilespmem:s6], [sflag:$0x7], $0x80, $0x38;
	[tilespmem:$0x16C00] =	vst v63  }
0x120: {  	s13 =	simm.s32 $0x12B30;
	s15 =	sadd.s32 $0x60, s10;
	s6 =	simm.s32 $0x440  }
0x121: {  	[hbm4b:s15+s3] =	stream.linear.scatter [tilespmem:s13], [sflag:$0x7], $0x80, $0x38;
	[tilespmem:$0x16C00] =	vst v63  }
0x122: {  	s11 =	sadd.s32 $0x70, s10;
	s10 =	sadd.s32 $0x1000, s10;
	s13 =	simm.s32 $0x2200  }
.LBB2_21:
0x123: {  	[hbm4b:s11+s3] =	stream.linear.scatter [tilespmem:s1], [sflag:$0x7], $0x80, $0x38;
	[tilespmem:$0x16C00] =	vst v63  }
0x124: {  	s1 =	smov.u32 s6;
	s6 =	smov.u32 s13  }
0x125: {  	s15 =	sadd.s32 $0x1100, s13;
	s6 =	sshra.s32 s6, $0x2;
	s11 =	sadd.s32 $0x12800, s1  }
0x126: {  	[hbm4b:s10+s3] =	stream.linear.scatter [tilespmem:s11], [sflag:$0x7], $0x80, $0x38;
	[tilespmem:$0x16C00] =	vst v63  }
0x127: {  	p2 =	sne.s32 s13, $0x7700;
	s13 =	sadd.s32 $0x10, s10;
	s11 =	sadd.s32 $0x12888, s1  }
0x128: {  	[hbm4b:s13+s3] =	stream.linear.scatter [tilespmem:s11], [sflag:$0x7], $0x80, $0x38;
	[tilespmem:$0x16C00] =	vst v63  }
0x129: {  	s11 =	sadd.s32 $0x12910, s1;
	s13 =	sadd.s32 $0x20, s10  }
0x12a: {  	[hbm4b:s13+s3] =	stream.linear.scatter [tilespmem:s11], [sflag:$0x7], $0x80, $0x38;
	[tilespmem:$0x16C00] =	vst v63  }
0x12b: {  	s11 =	sadd.s32 $0x12998, s1;
	s13 =	sadd.s32 $0x30, s10  }
0x12c: {  	[hbm4b:s13+s3] =	stream.linear.scatter [tilespmem:s11], [sflag:$0x7], $0x80, $0x38;
	[tilespmem:$0x16C00] =	vst v63  }
0x12d: {  	s11 =	sadd.s32 $0x12A20, s1;
	s13 =	sadd.s32 $0x40, s10  }
0x12e: {  	[hbm4b:s13+s3] =	stream.linear.scatter [tilespmem:s11], [sflag:$0x7], $0x80, $0x38;
	[tilespmem:$0x16C00] =	vst v63  }
.Ltmp13:
0x12f: {  	s11 =	sadd.s32 $0x12AA8, s1;
	s13 =	sadd.s32 $0x50, s10;
	(pc) =	sbr.rel @p2 .LBB2_21-.Ltmp13, $4  }
0x130: {  	[hbm4b:s13+s3] =	stream.linear.scatter [tilespmem:s11], [sflag:$0x7], $0x80, $0x38;
	[tilespmem:$0x16C00] =	vst v63  }
0x131: {  	s11 =	sadd.s32 $0x12B30, s1;
	s13 =	sadd.s32 $0x60, s10;
	s1 =	sadd.s32 $0x12BB8, s1  }
0x132: {  	[hbm4b:s13+s3] =	stream.linear.scatter [tilespmem:s11], [sflag:$0x7], $0x80, $0x38;
	[tilespmem:$0x16C00] =	vst v63  }
0x133: {  	s11 =	sadd.s32 $0x70, s10;
	s10 =	sadd.s32 $0x1000, s10;
	s13 =	smov.u32 s15  }
0x134: {  	[hbm4b:s11+s3] =	stream.linear.scatter [tilespmem:s1], [sflag:$0x7], $0x80, $0x38;
	[tilespmem:$0x16C00] =	vst v63  }
0x135: {  	s11 =	sadd.s32 $0x12800, s6  }
0x136: {  	[hbm4b:s10+s3] =	stream.linear.scatter [tilespmem:s11], [sflag:$0x7], $0x80, $0x38;
	[tilespmem:$0x16C00] =	vst v63  }
0x137: {  	s13 =	sadd.s32 $0x12888, s6;
	s15 =	sadd.s32 $0x10, s10  }
0x138: {  	[hbm4b:s15+s3] =	stream.linear.scatter [tilespmem:s13], [sflag:$0x7], $0x80, $0x38;
	[tilespmem:$0x16C00] =	vst v63  }
0x139: {  	s13 =	sadd.s32 $0x12910, s6;
	s15 =	sadd.s32 $0x20, s10  }
0x13a: {  	[hbm4b:s15+s3] =	stream.linear.scatter [tilespmem:s13], [sflag:$0x7], $0x80, $0x38;
	[tilespmem:$0x16C00] =	vst v63  }
0x13b: {  	s13 =	sadd.s32 $0x12998, s6;
	s15 =	sadd.s32 $0x30, s10  }
0x13c: {  	[hbm4b:s15+s3] =	stream.linear.scatter [tilespmem:s13], [sflag:$0x7], $0x80, $0x38;
	[tilespmem:$0x16C00] =	vst v63  }
0x13d: {  	s13 =	sadd.s32 $0x12A20, s6;
	s15 =	sadd.s32 $0x40, s10  }
0x13e: {  	[hbm4b:s15+s3] =	stream.linear.scatter [tilespmem:s13], [sflag:$0x7], $0x80, $0x38;
	[tilespmem:$0x16C00] =	vst v63  }
0x13f: {  	s13 =	sadd.s32 $0x12AA8, s6;
	s15 =	sadd.s32 $0x50, s10  }
0x140: {  	[hbm4b:s15+s3] =	stream.linear.scatter [tilespmem:s13], [sflag:$0x7], $0x80, $0x38;
	[tilespmem:$0x16C00] =	vst v63  }
.Ltmp14:
0x141: {  	_ = 	snop;
	(pc) =	sbr.rel @p1 .LBB2_24-.Ltmp14, $4  }
0x142: {  	s13 =	sadd.s32 $0x12B30, s6;
	s15 =	sadd.s32 $0x60, s10  }
0x143: {  	[hbm4b:s15+s3] =	stream.linear.scatter [tilespmem:s13], [sflag:$0x7], $0x80, $0x38;
	[tilespmem:$0x16C00] =	vst v63  }
0x144: {  	s13 =	sadd.s32 $0x12BB8, s6;
	s15 =	sadd.s32 $0x70, s10  }
0x145: {  	[hbm4b:s15+s3] =	stream.linear.scatter [tilespmem:s13], [sflag:$0x7], $0x80, $0x38;
	[tilespmem:$0x16C00] =	vst v63  }
.Ltmp15:
0x146: {  	(pc) =	sbr.rel .LBB2_25-.Ltmp15, $4  }
0x147: {  	_ = 	snop  }
0x148: {  	_ =	swait.ge [sflag:s30], $0x2000  }
0x149: {  	[sflag:s30] =	ssyncset.done $0x0  }
0x14a: {  	[sflag:s30] =	ssyncadd.s32 $0xFFFFE000  }
.LBB2_24:
0x14b: {  	s1 =	sadd.s32 $0x300, s17  }
.Ltmp16:
0x14c: {  	s1 =	sand.u32 $0xFF00, s1;
	(pc) =	sbr.rel @p0 .LBB2_26-.Ltmp16, $4  }
0x14d: {  	[tilespmem:s18], [sflag:$0x3] =	stream.indirect.gather [hbm4b:s5+s14], $0x40, s1, s14, $0xb8;
	[tilespmem:$0x16C00] =	vst v63  }
0x14e: {  	_ =	swait.ge [sflag:s30], $0x2000  }
0x14f: {  	[sflag:s30] =	ssyncset.done $0x0  }
0x150: {  	[sflag:s30] =	ssyncadd.s32 $0xFFFFE000  }
.LBB2_25:
0x151: {  	_ =	swait.ge [sflag:s31], $0x2000  }
0x152: {  	[sflag:s31] =	ssyncset.done $0x0  }
0x153: {  	[sflag:s31] =	ssyncadd.s32 $0xFFFFE000  }
.LBB2_26:
0x154: {  	s1 =	simm.s32 $0x0  }
0x155: {  	v4 =	vmov s1  }
0x156: {  	s6 =	simm.s32 $0xC400;
	v5 =	vand.u32 $0x7F, v4  }
0x157: {  	v4 =	vld [tilespmem:s6+$0x0];
	v6 =	vadd.s32 v0, v5;
	_ =	sdelay $0x4  }
0x158: {  	[tilespmem:v6+s0+$0x0] =	vst.idx.msk $0xffff, v4  }
0x159: {  	v6 =	vadd.s32 v1, v5;
	v4 =	vld [tilespmem:s6+$0x10];
	_ =	sdelay $0x4  }
0x15a: {  	[tilespmem:v6+s0+$0x0] =	vst.idx.msk $0xffff, v4  }
0x15b: {  	v6 =	vadd.s32 v2, v5;
	v4 =	vld [tilespmem:s6+$0x20];
	_ =	sdelay $0x4  }
0x15c: {  	[tilespmem:v6+s0+$0x0] =	vst.idx.msk $0xffff, v4  }
0x15d: {  	v5 =	vadd.s32 v3, v5;
	v4 =	vld [tilespmem:s6+$0x30];
	_ =	sdelay $0x2  }
0x15e: {  	s15 =	simm.s32 $0x1  }
0x15f: {  	s10 =	simm.s32 $0x2;
	v6 =	vmov s15  }
.LBB2_27:
0x160: {  	p0 =	sne.s32 s10, $0x7F;
	v6 =	vand.u32 $0x7F, v6;
	[tilespmem:v5+s0+$0x0] =	vst.idx.msk $0xffff, v4;
	s6 =	sadd.s32 $0x40, s6  }
0x161: {  	v4 =	vld [tilespmem:s6+$0x0];
	v5 =	vadd.s32 v0, v6;
	_ =	sdelay $0x4  }
0x162: {  	[tilespmem:v5+s0+$0x0] =	vst.idx.msk $0xffff, v4  }
0x163: {  	v5 =	vadd.s32 v1, v6;
	v4 =	vld [tilespmem:s6+$0x10];
	_ =	sdelay $0x4  }
0x164: {  	[tilespmem:v5+s0+$0x0] =	vst.idx.msk $0xffff, v4  }
0x165: {  	v5 =	vadd.s32 v2, v6;
	v4 =	vld [tilespmem:s6+$0x20];
	_ =	sdelay $0x4  }
0x166: {  	[tilespmem:v5+s0+$0x0] =	vst.idx.msk $0xffff, v4  }
.Ltmp17:
0x167: {  	v5 =	vadd.s32 v3, v6;
	v4 =	vld [tilespmem:s6+$0x30];
	(pc) =	sbr.rel @p0 .LBB2_27-.Ltmp17, $2  }
0x168: {  	_ =	sdelay $0x2  }
0x169: {  	v6 =	vmov s10;
	s10 =	sadd.s32 $0x1, s10  }
0x16a: {  	_ =	sdelay $0x3  }
0x16b: {  	v6 =	vand.u32 $0x7F, v6;
	[tilespmem:v5+s0+$0x0] =	vst.idx.msk $0xffff, v4;
	s1 =	sadd.s32 $0x40, s6  }
0x16c: {  	v4 =	vld [tilespmem:s1+$0x0];
	v5 =	vadd.s32 v0, v6;
	_ =	sdelay $0x4  }
0x16d: {  	[tilespmem:v5+s0+$0x0] =	vst.idx.msk $0xffff, v4  }
0x16e: {  	v5 =	vadd.s32 v1, v6;
	v4 =	vld [tilespmem:s1+$0x10];
	_ =	sdelay $0x4  }
0x16f: {  	[tilespmem:v5+s0+$0x0] =	vst.idx.msk $0xffff, v4  }
0x170: {  	v5 =	vadd.s32 v2, v6;
	v4 =	vld [tilespmem:s1+$0x20];
	_ =	sdelay $0x4  }
0x171: {  	[tilespmem:v5+s0+$0x0] =	vst.idx.msk $0xffff, v4  }
0x172: {  	v5 =	vadd.s32 v3, v6;
	v4 =	vld [tilespmem:s1+$0x30];
	_ =	sdelay $0x4  }
0x173: {  	s10 =	sadd.s32 s19, s9;
	s6 =	simm.s32 $0x14A00;
	[tilespmem:v5+s0+$0x0] =	vst.idx.msk $0xffff, v4  }
0x174: {  	[hbm4b:s10+s3] =	stream.linear.scatter [tilespmem:s6], [sflag:$0x8], $0x80, $0x38;
	[tilespmem:$0x16C00] =	vst v63  }
0x175: {  	s11 =	simm.s32 $0x14A88;
	s13 =	sadd.s32 $0x10, s10  }
0x176: {  	[hbm4b:s13+s3] =	stream.linear.scatter [tilespmem:s11], [sflag:$0x8], $0x80, $0x38;
	[tilespmem:$0x16C00] =	vst v63  }
0x177: {  	s15 =	simm.s32 $0x14B10;
	s19 =	sadd.s32 $0x20, s10;
	s1 =	simm.s32 $0x14DB8  }
0x178: {  	[hbm4b:s19+s3] =	stream.linear.scatter [tilespmem:s15], [sflag:$0x8], $0x80, $0x38;
	[tilespmem:$0x16C00] =	vst v63  }
0x179: {  	s6 =	simm.s32 $0x440;
	s11 =	simm.s32 $0x14B98;
	s13 =	sadd.s32 $0x30, s10  }
0x17a: {  	[hbm4b:s13+s3] =	stream.linear.scatter [tilespmem:s11], [sflag:$0x8], $0x80, $0x38;
	[tilespmem:$0x16C00] =	vst v63  }
0x17b: {  	s15 =	simm.s32 $0x14C20;
	s19 =	sadd.s32 $0x40, s10;
	s11 =	simm.s32 $0x14CA8  }
0x17c: {  	[hbm4b:s19+s3] =	stream.linear.scatter [tilespmem:s15], [sflag:$0x8], $0x80, $0x38;
	[tilespmem:$0x16C00] =	vst v63  }
0x17d: {  	s13 =	sadd.s32 $0x50, s10;
	s15 =	simm.s32 $0x14D30;
	s19 =	sadd.s32 $0x60, s10  }
0x17e: {  	[hbm4b:s13+s3] =	stream.linear.scatter [tilespmem:s11], [sflag:$0x8], $0x80, $0x38;
	[tilespmem:$0x16C00] =	vst v63  }
0x17f: {  	s13 =	simm.s32 $0x2200;
	s11 =	sadd.s32 $0x70, s10;
	s10 =	sadd.s32 $0x1000, s10  }
0x180: {  	[hbm4b:s19+s3] =	stream.linear.scatter [tilespmem:s15], [sflag:$0x8], $0x80, $0x38;
	[tilespmem:$0x16C00] =	vst v63  }
.LBB2_29:
0x181: {  	[hbm4b:s11+s3] =	stream.linear.scatter [tilespmem:s1], [sflag:$0x8], $0x80, $0x38;
	[tilespmem:$0x16C00] =	vst v63  }
0x182: {  	s1 =	smov.u32 s6;
	s6 =	smov.u32 s13  }
0x183: {  	s15 =	sadd.s32 $0x1100, s13;
	s6 =	sshra.s32 s6, $0x2;
	s11 =	sadd.s32 $0x14A00, s1  }
0x184: {  	[hbm4b:s10+s3] =	stream.linear.scatter [tilespmem:s11], [sflag:$0x8], $0x80, $0x38;
	[tilespmem:$0x16C00] =	vst v63  }
0x185: {  	p0 =	sne.s32 s13, $0x7700;
	s13 =	sadd.s32 $0x10, s10;
	s11 =	sadd.s32 $0x14A88, s1  }
0x186: {  	[hbm4b:s13+s3] =	stream.linear.scatter [tilespmem:s11], [sflag:$0x8], $0x80, $0x38;
	[tilespmem:$0x16C00] =	vst v63  }
0x187: {  	s11 =	sadd.s32 $0x14B10, s1;
	s13 =	sadd.s32 $0x20, s10  }
0x188: {  	[hbm4b:s13+s3] =	stream.linear.scatter [tilespmem:s11], [sflag:$0x8], $0x80, $0x38;
	[tilespmem:$0x16C00] =	vst v63  }
0x189: {  	s11 =	sadd.s32 $0x14B98, s1;
	s13 =	sadd.s32 $0x30, s10  }
0x18a: {  	[hbm4b:s13+s3] =	stream.linear.scatter [tilespmem:s11], [sflag:$0x8], $0x80, $0x38;
	[tilespmem:$0x16C00] =	vst v63  }
0x18b: {  	s11 =	sadd.s32 $0x14C20, s1;
	s13 =	sadd.s32 $0x40, s10  }
0x18c: {  	[hbm4b:s13+s3] =	stream.linear.scatter [tilespmem:s11], [sflag:$0x8], $0x80, $0x38;
	[tilespmem:$0x16C00] =	vst v63  }
.Ltmp18:
0x18d: {  	s11 =	sadd.s32 $0x14CA8, s1;
	s13 =	sadd.s32 $0x50, s10;
	(pc) =	sbr.rel @p0 .LBB2_29-.Ltmp18, $4  }
0x18e: {  	[hbm4b:s13+s3] =	stream.linear.scatter [tilespmem:s11], [sflag:$0x8], $0x80, $0x38;
	[tilespmem:$0x16C00] =	vst v63  }
0x18f: {  	s11 =	sadd.s32 $0x14D30, s1;
	s13 =	sadd.s32 $0x60, s10;
	s1 =	sadd.s32 $0x14DB8, s1  }
0x190: {  	[hbm4b:s13+s3] =	stream.linear.scatter [tilespmem:s11], [sflag:$0x8], $0x80, $0x38;
	[tilespmem:$0x16C00] =	vst v63  }
0x191: {  	s11 =	sadd.s32 $0x70, s10;
	s10 =	sadd.s32 $0x1000, s10;
	s13 =	smov.u32 s15  }
0x192: {  	[hbm4b:s11+s3] =	stream.linear.scatter [tilespmem:s1], [sflag:$0x8], $0x80, $0x38;
	[tilespmem:$0x16C00] =	vst v63  }
0x193: {  	s13 =	sadd.s32 $0x14A00, s6  }
0x194: {  	[hbm4b:s10+s3] =	stream.linear.scatter [tilespmem:s13], [sflag:$0x8], $0x80, $0x38;
	[tilespmem:$0x16C00] =	vst v63  }
0x195: {  	s15 =	sadd.s32 $0x14A88, s6;
	s19 =	sadd.s32 $0x10, s10  }
0x196: {  	[hbm4b:s19+s3] =	stream.linear.scatter [tilespmem:s15], [sflag:$0x8], $0x80, $0x38;
	[tilespmem:$0x16C00] =	vst v63  }
0x197: {  	s11 =	sadd.s32 $0x14B10, s6;
	s13 =	sadd.s32 $0x20, s10  }
0x198: {  	[hbm4b:s13+s3] =	stream.linear.scatter [tilespmem:s11], [sflag:$0x8], $0x80, $0x38;
	[tilespmem:$0x16C00] =	vst v63  }
0x199: {  	s15 =	sadd.s32 $0x14B98, s6;
	s19 =	sadd.s32 $0x30, s10  }
0x19a: {  	[hbm4b:s19+s3] =	stream.linear.scatter [tilespmem:s15], [sflag:$0x8], $0x80, $0x38;
	[tilespmem:$0x16C00] =	vst v63  }
0x19b: {  	s11 =	sadd.s32 $0x14C20, s6;
	s13 =	sadd.s32 $0x40, s10  }
0x19c: {  	[hbm4b:s13+s3] =	stream.linear.scatter [tilespmem:s11], [sflag:$0x8], $0x80, $0x38;
	[tilespmem:$0x16C00] =	vst v63  }
0x19d: {  	p0 =	seq.s32 s12, $0x31;
	s15 =	sadd.s32 $0x14CA8, s6;
	s19 =	sadd.s32 $0x50, s10  }
0x19e: {  	[hbm4b:s19+s3] =	stream.linear.scatter [tilespmem:s15], [sflag:$0x8], $0x80, $0x38;
	[tilespmem:$0x16C00] =	vst v63  }
.Ltmp19:
0x19f: {  	_ = 	snop;
	(pc) =	sbr.rel @p0 .LBB2_32-.Ltmp19, $4  }
0x1a0: {  	s11 =	sadd.s32 $0x14D30, s6;
	s13 =	sadd.s32 $0x60, s10  }
0x1a1: {  	[hbm4b:s13+s3] =	stream.linear.scatter [tilespmem:s11], [sflag:$0x8], $0x80, $0x38;
	[tilespmem:$0x16C00] =	vst v63  }
0x1a2: {  	s15 =	sadd.s32 $0x14DB8, s6;
	s19 =	sadd.s32 $0x70, s10  }
0x1a3: {  	[hbm4b:s19+s3] =	stream.linear.scatter [tilespmem:s15], [sflag:$0x8], $0x80, $0x38;
	[tilespmem:$0x16C00] =	vst v63  }
.Ltmp20:
0x1a4: {  	(pc) =	sbr.rel .LBB2_2-.Ltmp20, $4  }
0x1a5: {  	_ = 	snop  }
0x1a6: {  	s1 =	sadd.s32 $0x380, s17  }
0x1a7: {  	s12 =	sadd.s32 $0x1, s12;
	s1 =	sand.u32 $0xFF80, s1  }
0x1a8: {  	[tilespmem:s20], [sflag:$0x4] =	stream.indirect.gather [hbm4b:s5+s14], $0x40, s1, s14, $0xb8;
	[tilespmem:$0x16C00] =	vst v63  }
.LBB2_33:
0x1a9: {  	_ =	sfence.sel $0x180000  }
0x1aa: {  	[bflag:$0x0] =	sbarrier.arrive $0xFFFF  }
0x1ab: {  	_ =	strace $0x90000047  }
0x1ac: {  	s0 =	stileid.u32;
	[bflag:$0x2] =	sbarrier.arrive $0xFFFF  }
0x1ad: {  	p0 =	sne.s32 s0, $0x0;
	s0 =	rddreg [dreg:$0x3]  }
0x1ae: {  	s0 =	sadd.s32 @!p0 $0x100000, s0  }
0x1af: {  	[sflag:s0] =	ssyncadd.tile.s32 @!p0 $0x1;
	_ =	shalt  }
.Lfunc_end2:
_tile_overlayer_lowered:
.L_overlay_start_2:
0x1b0: {  	(tag) =	ssettag $0x2  }
0x1b1: {  	s0 =	rddreg [dreg:$0x0];
	s2 =	stileid.u32  }
0x1b2: {  	s1 =	rddreg [dreg:$0x1];
	p0 =	sne.s32 s2, $0x0  }
0x1b3: {  	s3 =	rddreg [dreg:$0x2];
	[bflag:$0x3] =	sbarrier.arrive $0xFFFF;
	s2 =	simm.s32 @!p0 $0x1C09  }
0x1b4: {  	[timem:s3], [sflag:s2] =	dma.local @!p0 [hbm:s0], s1  }
0x1b5: {  	s0 =	simm.s32 @!p0 $0x9  }
0x1b6: {  	_ =	swait.ge @!p0 [sflag:s0], s1  }
0x1b7: {  	s1 =	ssub.s32 @!p0 $0x0, s1;
	[sflag:s0] =	ssyncset.done @!p0 $0x0  }
0x1b8: {  	[sflag:s0] =	ssyncadd.s32 @!p0 s1  }
0x1b9: {  	[bflag:$0x3] =	sbarrier.arrive $0xFFFF  }
0x1ba: {  	_ =	shalt  }

</sc_bundles>
